<compile_context>
chip_gen: v7x
topology: tpu7x:2x2x1
jax: 0.10.2.dev20260603
libtpu: 0.0.44.dev20260713+nightly
codegen_flags: <defaults>
</compile_context>

<pallas_src>
import functools

import jax
import jax.numpy as jnp
from jax import lax
from jax.experimental import pallas as pl
from jax.experimental.pallas import tpu as pltpu
from jax.experimental.pallas import tpu_sc as plsc

N = 10000
D = 128
E_PPI = 320000
E_DPI = 200000
E_DD = 8192

NC = 2
NS = 16
CHUNK = 128
NBUF = 3

_QUANT = NS * CHUNK


def _pad_to(e):
    return -(-e // _QUANT) * _QUANT


E_P_RAW = E_PPI + E_DPI
E_D_RAW = E_DPI + E_DD
E_P = _pad_to(E_P_RAW)
E_D = _pad_to(E_D_RAW)
PER_SUB_P = E_P // NS
PER_SUB_D = E_D // NS
ROWS_PER_SUB = 624
TAIL_ROWS = N - NS * ROWS_PER_SUB


def _mm_body(h_ref, w_ref, o_ref):
    m = pl.program_id(0)
    h = h_ref[...]
    acc = jnp.dot(h, w_ref[0], preferred_element_type=jnp.float32)
    o_ref[...] = acc + jnp.where(m >= 4, 1.0, 0.0) * h


def _tc_matmuls(h_cat, w6):
    return pl.pallas_call(
        _mm_body,
        grid=(6, 10),
        in_specs=[
            pl.BlockSpec((1000, D), lambda m, rb: ((m % 2) * 10 + rb, 0)),
            pl.BlockSpec((1, D, D), lambda m, rb: (m, 0, 0)),
        ],
        out_specs=pl.BlockSpec((1000, D), lambda m, rb: (m * 10 + rb, 0)),
        out_shape=jax.ShapeDtypeStruct((60000, D), jnp.float32),
    )(h_cat, w6)


def _sc_body(big_hbm, src_hbm, dst_hbm, out_hbm, *refs):
    src_v = refs[0:NBUF]
    dst_v = refs[NBUF:2 * NBUF]
    rows_v = refs[2 * NBUF:3 * NBUF]
    acc = refs[3 * NBUF]
    idx_sem = refs[3 * NBUF + 1:3 * NBUF + 1 + NBUF]
    gat_sem = refs[3 * NBUF + 1 + NBUF:3 * NBUF + 1 + 2 * NBUF]
    sct_sem = refs[3 * NBUF + 1 + 2 * NBUF:3 * NBUF + 1 + 3 * NBUF]
    c = lax.axis_index("c")
    s = lax.axis_index("s")
    row0 = s * ROWS_PER_SUB
    base_row0 = 4 * N + c * N
    pltpu.sync_copy(big_hbm.at[pl.ds(base_row0 + row0, ROWS_PER_SUB), :],
                    acc.at[pl.ds(row0, ROWS_PER_SUB), :])

    tail0 = NS * ROWS_PER_SUB

    @pl.when(s == NS - 1)
    def _init_tail():
        pltpu.sync_copy(big_hbm.at[pl.ds(base_row0 + tail0, TAIL_ROWS), :],
                        acc.at[pl.ds(tail0, TAIL_ROWS), :])

    plsc.subcore_barrier()

    per_sub = jnp.where(c == 0, PER_SUB_P, PER_SUB_D)
    trips = jnp.where(c == 0, PER_SUB_P // CHUNK, PER_SUB_D // CHUNK)
    base_edge = c * E_P + s * per_sub

    def _issue_idx(t, b):
        off = base_edge + t * CHUNK
        pltpu.async_copy(src_hbm.at[pl.ds(off, CHUNK)], src_v[b], idx_sem[b])
        pltpu.async_copy(dst_hbm.at[pl.ds(off, CHUNK)], dst_v[b], idx_sem[b])

    def _wait_idx(b):
        pltpu.make_async_copy(src_hbm.at[pl.ds(base_edge, CHUNK)], src_v[b],
                              idx_sem[b]).wait()
        pltpu.make_async_copy(dst_hbm.at[pl.ds(base_edge, CHUNK)], dst_v[b],
                              idx_sem[b]).wait()

    _issue_idx(0, 0)

    def body(j, carry):
        for p in range(NBUF):
            t = NBUF * j + p
            b0 = p
            b1 = (p + NBUF - 1) % NBUF
            b2 = (p + 1) % NBUF

            @pl.when(t < trips)
            def _start_gather():
                _wait_idx(b0)
                pltpu.async_copy(big_hbm.at[src_v[b0]], rows_v[b0],
                                 gat_sem[b0])

            @pl.when(jnp.logical_and(t >= 1, t <= trips))
            def _start_scatter():
                pltpu.make_async_copy(big_hbm.at[src_v[b1]], rows_v[b1],
                                      gat_sem[b1]).wait()
                pltpu.async_copy(rows_v[b1], acc.at[dst_v[b1]], sct_sem[b1],
                                 add=True)

            @pl.when(t + 1 < trips)
            def _prefetch_idx():
                @pl.when(t >= 2)
                def _slot_free():
                    pltpu.make_async_copy(rows_v[b2], acc.at[dst_v[b2]],
                                          sct_sem[b2]).wait()

                _issue_idx(t + 1, b2)

        return carry

    lax.fori_loop(0, (trips + NBUF) // NBUF, body, 0)
    for b in range(NBUF):
        pltpu.make_async_copy(rows_v[b], acc.at[dst_v[b]], sct_sem[b]).wait()
    plsc.subcore_barrier()
    pltpu.sync_copy(acc.at[pl.ds(row0, ROWS_PER_SUB), :],
                    out_hbm.at[pl.ds(c * N + row0, ROWS_PER_SUB), :])

    @pl.when(s == NS - 1)
    def _out_tail():
        pltpu.sync_copy(acc.at[pl.ds(tail0, TAIL_ROWS), :],
                        out_hbm.at[pl.ds(c * N + tail0, TAIL_ROWS), :])


_sc_segsum = functools.partial(
    pl.kernel,
    out_type=jax.ShapeDtypeStruct((2 * N, D), jnp.float32),
    mesh=plsc.VectorSubcoreMesh(core_axis_name="c", subcore_axis_name="s",
                                num_cores=NC, num_subcores=NS),
    scratch_types=(
        [pltpu.VMEM((CHUNK,), jnp.int32) for _ in range(2 * NBUF)]
        + [pltpu.VMEM((CHUNK, D), jnp.float32) for _ in range(NBUF)]
        + [pltpu.VMEM_SHARED((N + NS, D), jnp.float32)]
        + [pltpu.SemaphoreType.DMA for _ in range(3 * NBUF)]
    ),
)(_sc_body)


def _pad_src(x, n):
    p = n - x.shape[0]
    if p == 0:
        return x.astype(jnp.int32)
    padv = jnp.arange(p, dtype=jnp.int32) % N
    return jnp.concatenate([x.astype(jnp.int32), padv])


def _pad_dst(x, n):
    p = n - x.shape[0]
    if p == 0:
        return x.astype(jnp.int32)
    padv = N + (jnp.arange(p, dtype=jnp.int32) % NS)
    return jnp.concatenate([x.astype(jnp.int32), padv])


def kernel(h_drug, h_prot, ppi_edge_index, dpi_edge_index, dd_edge_index,
           have_pooled, W_d_self, W_p_self, W_p2p, W_d2p, W_p2d, W_d2d):
    del have_pooled
    i = W_d_self.shape[0] - 1
    w6 = jnp.stack([W_p2p[i], W_d2p[i], W_p2d[i], W_d2d[i],
                    W_p_self[i], W_d_self[i]])
    h_cat = jnp.concatenate([h_prot, h_drug], axis=0)
    big = _tc_matmuls(h_cat, w6)

    ppi_src = ppi_edge_index[0].astype(jnp.int32)
    ppi_dst = ppi_edge_index[1].astype(jnp.int32)
    dpi_src = dpi_edge_index[0].astype(jnp.int32)
    dpi_dst = dpi_edge_index[1].astype(jnp.int32)
    dd_src = dd_edge_index[0].astype(jnp.int32)
    dd_dst = dd_edge_index[1].astype(jnp.int32)

    src_all = jnp.concatenate([
        _pad_src(jnp.concatenate([ppi_src, dpi_src + N]), E_P),
        _pad_src(jnp.concatenate([dpi_dst + 2 * N, dd_src + 3 * N]), E_D),
    ])
    dst_all = jnp.concatenate([
        _pad_dst(jnp.concatenate([ppi_dst, dpi_dst]), E_P),
        _pad_dst(jnp.concatenate([dpi_src, dd_dst]), E_D),
    ])

    out_cat = _sc_segsum(big, src_all, dst_all)
    return (out_cat[N:], out_cat[:N])

# --- scband reference (transcript-rebuilt; emitter-appended) ---
"""Pipeline reference for scband-residual-module-35888746725874 (READ-ONLY COPY).

The authoritative reference and input builder live on the scoring server;
editing this copy changes nothing except your own understanding.
"""

import jax, jax.numpy as jnp
import numpy as np

N_DRUG = 10000
N_PROT = 10000
D = 128
L = 2
E_PPI = 320000
E_DPI = 200000
E_DD = 8192


def setup_inputs(seed: int = 0) -> dict:
    key = jax.random.key(seed)
    ks = jax.random.split(key, 12)
    s = 1.0 / np.sqrt(D)
    h_drug = jax.random.normal(ks[0], (N_DRUG, D), dtype=jnp.float32)
    h_prot = jax.random.normal(ks[1], (N_PROT, D), dtype=jnp.float32)
    ppi_edge_index = jax.random.randint(ks[2], (2, E_PPI), 0, N_PROT, dtype=jnp.int64 if jax.config.jax_enable_x64 else jnp.int32)
    dpi_src = jax.random.randint(ks[3], (E_DPI,), 0, N_DRUG)
    dpi_dst = jax.random.randint(ks[4], (E_DPI,), 0, N_PROT)
    dpi_edge_index = jnp.stack([dpi_src, dpi_dst], axis=0)
    dd_edge_index = jax.random.randint(ks[5], (2, E_DD), 0, N_DRUG)
    W_d_self = jax.random.normal(ks[6], (L, D, D), dtype=jnp.float32) * s
    W_p_self = jax.random.normal(ks[7], (L, D, D), dtype=jnp.float32) * s
    W_p2p = jax.random.normal(ks[8], (L, D, D), dtype=jnp.float32) * s
    W_d2p = jax.random.normal(ks[9], (L, D, D), dtype=jnp.float32) * s
    W_p2d = jax.random.normal(ks[10], (L, D, D), dtype=jnp.float32) * s
    W_d2d = jax.random.normal(ks[11], (L, D, D), dtype=jnp.float32) * s
    return {
        "h_drug": h_drug,
        "h_prot": h_prot,
        "ppi_edge_index": ppi_edge_index,
        "dpi_edge_index": dpi_edge_index,
        "dd_edge_index": dd_edge_index,
        "have_pooled": False,
        "W_d_self": W_d_self,
        "W_p_self": W_p_self,
        "W_p2p": W_p2p,
        "W_d2p": W_d2p,
        "W_p2d": W_p2d,
        "W_d2d": W_d2d,
    }


def reference(h_drug, h_prot, ppi_edge_index, dpi_edge_index, dd_edge_index, have_pooled, W_d_self, W_p_self, W_p2p, W_d2p, W_p2d, W_d2d):
    # One ConvLayer: bipartite drug/protein message passing with all four
    # message channels enabled (d2d, d2p, p2d, p2p).
    def conv(i):
        out_d = h_drug @ W_d_self[i]
        out_p = h_prot @ W_p_self[i]
        # p2p over PPI edges (src=row0, dst=row1)
        m = (h_prot @ W_p2p[i])[ppi_edge_index[0]]
        out_p = out_p + jax.ops.segment_sum(m, ppi_edge_index[1], num_segments=N_PROT)
        # d2p over DPI edges (drug=row0 -> prot=row1)
        m = (h_drug @ W_d2p[i])[dpi_edge_index[0]]
        out_p = out_p + jax.ops.segment_sum(m, dpi_edge_index[1], num_segments=N_PROT)
        # p2d over reversed DPI edges
        m = (h_prot @ W_p2d[i])[dpi_edge_index[1]]
        out_d = out_d + jax.ops.segment_sum(m, dpi_edge_index[0], num_segments=N_DRUG)
        # d2d over drug_drug_batch edges
        m = (h_drug @ W_d2d[i])[dd_edge_index[0]]
        out_d = out_d + jax.ops.segment_sum(m, dd_edge_index[1], num_segments=N_DRUG)
        return out_d, out_p

    # Faithful to the torch loop: every conv consumes the ORIGINAL h_drug/h_prot;
    # intermediate relu'd outputs are overwritten (as in the source module).
    out_drug, out_prot = None, None
    for i in range(L):
        out_drug, out_prot = conv(i)
        if i != L - 1:
            out_drug, out_prot = jax.nn.relu(out_drug), jax.nn.relu(out_prot)
    return (out_drug + h_drug, out_prot + h_prot)

if __name__ == "__main__":
    import jax
    _d = setup_inputs()
    print(jax.jit(kernel)(*tuple(_d.values())))

</pallas_src>

<mosaic_0001>
#map = affine_map<(d0, d1) -> (0, 0)>
#map1 = affine_map<(d0, d1) -> (0)>
module attributes {stable_mosaic.version = 14 : i64} {
  func.func @_sc_body(%arg0: i32, %arg1: i32, %arg2: memref<60000x128xf32, #tpu.memory_space<hbm>>, %arg3: memref<729088xi32, #tpu.memory_space<hbm>>, %arg4: memref<729088xi32, #tpu.memory_space<hbm>>, %arg5: memref<20000x128xf32, #tpu.memory_space<hbm>>, %arg6: memref<128xi32, #tpu.memory_space<vmem>>, %arg7: memref<128xi32, #tpu.memory_space<vmem>>, %arg8: memref<128xi32, #tpu.memory_space<vmem>>, %arg9: memref<128xi32, #tpu.memory_space<vmem>>, %arg10: memref<128xi32, #tpu.memory_space<vmem>>, %arg11: memref<128xi32, #tpu.memory_space<vmem>>, %arg12: memref<128x128xf32, #tpu.memory_space<vmem>>, %arg13: memref<128x128xf32, #tpu.memory_space<vmem>>, %arg14: memref<128x128xf32, #tpu.memory_space<vmem>>, %arg15: memref<10016x128xf32, #tpu.memory_space<vmem_shared>>, %arg16: memref<!tpu.dma_semaphore, #tpu.memory_space<semaphore_mem>>, %arg17: memref<!tpu.dma_semaphore, #tpu.memory_space<semaphore_mem>>, %arg18: memref<!tpu.dma_semaphore, #tpu.memory_space<semaphore_mem>>, %arg19: memref<!tpu.dma_semaphore, #tpu.memory_space<semaphore_mem>>, %arg20: memref<!tpu.dma_semaphore, #tpu.memory_space<semaphore_mem>>, %arg21: memref<!tpu.dma_semaphore, #tpu.memory_space<semaphore_mem>>, %arg22: memref<!tpu.dma_semaphore, #tpu.memory_space<semaphore_mem>>, %arg23: memref<!tpu.dma_semaphore, #tpu.memory_space<semaphore_mem>>, %arg24: memref<!tpu.dma_semaphore, #tpu.memory_space<semaphore_mem>>) attributes {dimension_semantics = [#tpu.dimension_semantics<core_parallel>, #tpu.dimension_semantics<subcore_parallel>], iteration_bounds = array<i64: 2, 16>, scalar_prefetch = 0 : i64, scratch_operands = 19 : i64, tpu.core_type = #tpu.core_type<sc_vector_subcore>, window_params = [{transform_indices = #map}, {transform_indices = #map1}, {transform_indices = #map1}, {transform_indices = #map}]} {
    %mul3A = arith.constant 624 : i32
    %mul3A_0 = arith.muli %arg1, %mul3A : i32
    %mul3A_1 = arith.constant 10000 : i32
    %mul3A_2 = arith.muli %arg0, %mul3A_1 : i32
    %add3A = arith.constant 40000 : i32
    %add3A_3 = arith.addi %add3A, %mul3A_2 : i32
    %add3A_4 = arith.addi %add3A_3, %mul3A_0 : i32
    "tpu.region"() ({
      %run_scoped3A = tpu.sem_alloc : memref<!tpu.dma_semaphore, #tpu.memory_space<semaphore_mem>>
      %dma_start3A_70 = arith.constant 0 : i32
      %dma_start3A_71 = tpu.memref_slice %arg15[%mul3A_0, %dma_start3A_70] : memref<10016x128xf32, #tpu.memory_space<vmem_shared>> -> memref<624x128xf32, #tpu.memory_space<vmem_shared>>
      %dma_start3A_72 = arith.constant 0 : i32
      %dma_start3A_73 = tpu.memref_slice %arg2[%add3A_4, %dma_start3A_72] : memref<60000x128xf32, #tpu.memory_space<hbm>> -> memref<624x128xf32, #tpu.memory_space<hbm>>
      tpu.enqueue_dma source(%dma_start3A_73 : memref<624x128xf32, #tpu.memory_space<hbm>>) target(%dma_start3A_71 : memref<624x128xf32, #tpu.memory_space<vmem_shared>>) target_semaphore(%run_scoped3A : memref<!tpu.dma_semaphore, #tpu.memory_space<semaphore_mem>>)
      %dma_wait3A_74 = arith.constant 0 : i32
      %dma_wait3A_75 = tpu.memref_slice %arg15[%mul3A_0, %dma_wait3A_74] : memref<10016x128xf32, #tpu.memory_space<vmem_shared>> -> memref<624x128xf32, #tpu.memory_space<vmem_shared>>
      %dma_wait3A_76 = arith.constant 0 : i32
      %dma_wait3A_77 = tpu.memref_slice %arg2[%add3A_4, %dma_wait3A_76] : memref<60000x128xf32, #tpu.memory_space<hbm>> -> memref<624x128xf32, #tpu.memory_space<hbm>>
      tpu.wait_dma2 semaphore(%run_scoped3A : memref<!tpu.dma_semaphore, #tpu.memory_space<semaphore_mem>>) src(%dma_wait3A_77 : memref<624x128xf32, #tpu.memory_space<hbm>>) dst(%dma_wait3A_75 : memref<624x128xf32, #tpu.memory_space<vmem_shared>>)
      tpu.yield
    }) : () -> ()
    %eq3A = arith.constant 15 : i32
    %eq3A_5 = arith.cmpi eq, %arg1, %eq3A : i32
    %convert_element_type3A = arith.extui %eq3A_5 : i1 to i32
    %cond3A = arith.constant 0 : i32
    %cond3A_6 = arith.cmpi ne, %convert_element_type3A, %cond3A : i32
    scf.if %cond3A_6 {
      %add3A_70 = arith.constant 9984 : i32
      %add3A_71 = arith.addi %add3A_3, %add3A_70 : i32
      "tpu.region"() ({
        %run_scoped3A = tpu.sem_alloc : memref<!tpu.dma_semaphore, #tpu.memory_space<semaphore_mem>>
        %dma_start3A_72 = arith.constant 9984 : i32
        %dma_start3A_73 = arith.constant 0 : i32
        %dma_start3A_74 = tpu.memref_slice %arg15[%dma_start3A_72, %dma_start3A_73] : memref<10016x128xf32, #tpu.memory_space<vmem_shared>> -> memref<16x128xf32, #tpu.memory_space<vmem_shared>>
        %dma_start3A_75 = arith.constant 0 : i32
        %dma_start3A_76 = tpu.memref_slice %arg2[%add3A_71, %dma_start3A_75] : memref<60000x128xf32, #tpu.memory_space<hbm>> -> memref<16x128xf32, #tpu.memory_space<hbm>>
        tpu.enqueue_dma source(%dma_start3A_76 : memref<16x128xf32, #tpu.memory_space<hbm>>) target(%dma_start3A_74 : memref<16x128xf32, #tpu.memory_space<vmem_shared>>) target_semaphore(%run_scoped3A : memref<!tpu.dma_semaphore, #tpu.memory_space<semaphore_mem>>)
        %dma_wait3A_77 = arith.constant 9984 : i32
        %dma_wait3A_78 = arith.constant 0 : i32
        %dma_wait3A_79 = tpu.memref_slice %arg15[%dma_wait3A_77, %dma_wait3A_78] : memref<10016x128xf32, #tpu.memory_space<vmem_shared>> -> memref<16x128xf32, #tpu.memory_space<vmem_shared>>
        %dma_wait3A_80 = arith.constant 0 : i32
        %dma_wait3A_81 = tpu.memref_slice %arg2[%add3A_71, %dma_wait3A_80] : memref<60000x128xf32, #tpu.memory_space<hbm>> -> memref<16x128xf32, #tpu.memory_space<hbm>>
        tpu.wait_dma2 semaphore(%run_scoped3A : memref<!tpu.dma_semaphore, #tpu.memory_space<semaphore_mem>>) src(%dma_wait3A_81 : memref<16x128xf32, #tpu.memory_space<hbm>>) dst(%dma_wait3A_79 : memref<16x128xf32, #tpu.memory_space<vmem_shared>>)
        tpu.yield
      }) : () -> ()
    } else {
    }
    %barrier3A = arith.constant 0 : index
    tpu.barrier barrier_id(%barrier3A)
    %eq3A_7 = arith.constant 0 : i32
    %eq3A_8 = arith.cmpi eq, %arg0, %eq3A_7 : i32
    %jit3A = arith.constant 32512 : i32
    %jit3A_9 = arith.constant 13056 : i32
    %select_n3A = arith.select %eq3A_8, %jit3A, %jit3A_9 : i32
    %eq3A_10 = arith.constant 0 : i32
    %eq3A_11 = arith.cmpi eq, %arg0, %eq3A_10 : i32
    %jit3A_12 = arith.constant 254 : i32
    %jit3A_13 = arith.constant 102 : i32
    %select_n3A_14 = arith.select %eq3A_11, %jit3A_12, %jit3A_13 : i32
    %mul3A_15 = arith.constant 520192 : i32
    %mul3A_16 = arith.muli %arg0, %mul3A_15 : i32
    %mul3A_17 = arith.muli %arg1, %select_n3A : i32
    %add3A_18 = arith.addi %mul3A_16, %mul3A_17 : i32
    %add3A_19 = arith.constant 0 : i32
    %add3A_20 = arith.addi %add3A_18, %add3A_19 : i32
    %dma_start3A = tpu.memref_slice %arg3[%add3A_20] : memref<729088xi32, #tpu.memory_space<hbm>> -> memref<128xi32, #tpu.memory_space<hbm>>
    %dma_start3A_21 = tpu.memref_slice %arg3[%add3A_20] : memref<729088xi32, #tpu.memory_space<hbm>> -> memref<128xi32, #tpu.memory_space<hbm>>
    tpu.enqueue_dma source(%dma_start3A_21 : memref<128xi32, #tpu.memory_space<hbm>>) target(%arg6 : memref<128xi32, #tpu.memory_space<vmem>>) target_semaphore(%arg16 : memref<!tpu.dma_semaphore, #tpu.memory_space<semaphore_mem>>)
    %dma_start3A_22 = tpu.memref_slice %arg4[%add3A_20] : memref<729088xi32, #tpu.memory_space<hbm>> -> memref<128xi32, #tpu.memory_space<hbm>>
    %dma_start3A_23 = tpu.memref_slice %arg4[%add3A_20] : memref<729088xi32, #tpu.memory_space<hbm>> -> memref<128xi32, #tpu.memory_space<hbm>>
    tpu.enqueue_dma source(%dma_start3A_23 : memref<128xi32, #tpu.memory_space<hbm>>) target(%arg9 : memref<128xi32, #tpu.memory_space<vmem>>) target_semaphore(%arg16 : memref<!tpu.dma_semaphore, #tpu.memory_space<semaphore_mem>>)
    %add3A_24 = arith.constant 3 : i32
    %add3A_25 = arith.addi %select_n3A_14, %add3A_24 : i32
    %jit3A_26 = arith.constant 3 : i32
    %div3A = arith.divsi %add3A_25, %jit3A_26 : i32
    %sign3A = arith.constant 0 : i32
    %sign3A_27 = arith.cmpi sgt, %add3A_25, %sign3A : i32
    %sign3A_28 = arith.extui %sign3A_27 : i1 to i32
    %sign3A_29 = arith.constant 0 : i32
    %sign3A_30 = arith.cmpi slt, %add3A_25, %sign3A_29 : i32
    %sign3A_31 = arith.extui %sign3A_30 : i1 to i32
    %sign3A_32 = arith.subi %sign3A_28, %sign3A_31 : i32
    %sign3A_33 = arith.constant 0 : i32
    %sign3A_34 = arith.cmpi sgt, %jit3A_26, %sign3A_33 : i32
    %sign3A_35 = arith.extui %sign3A_34 : i1 to i32
    %sign3A_36 = arith.constant 0 : i32
    %sign3A_37 = arith.cmpi slt, %jit3A_26, %sign3A_36 : i32
    %sign3A_38 = arith.extui %sign3A_37 : i1 to i32
    %sign3A_39 = arith.subi %sign3A_35, %sign3A_38 : i32
    %ne3A = arith.cmpi ne, %sign3A_32, %sign3A_39 : i32
    %rem3A = arith.remsi %add3A_25, %jit3A_26 : i32
    %ne3A_40 = arith.constant 0 : i32
    %ne3A_41 = arith.cmpi ne, %rem3A, %ne3A_40 : i32
    %and3A = arith.andi %ne3A, %ne3A_41 : i1
    %sub3A = arith.constant 1 : i32
    %sub3A_42 = arith.subi %div3A, %sub3A : i32
    %select_n3A_43 = arith.select %and3A, %sub3A_42, %div3A : i32
    %while3A = arith.constant 0 : i32
    %while3A_44 = arith.constant 0 : i32
    %while3A_45 = arith.subi %select_n3A_43, %while3A_44 : i32
    %while3A_46 = arith.addi %while3A_44, %while3A_45 : i32
    %while3A_47 = arith.constant 1 : i32
    %while3A_48 = arith.divsi %while3A_45, %while3A_47 : i32
    %while3A_49 = arith.muli %while3A_48, %while3A_47 : i32
    %while3A_50 = arith.addi %while3A_44, %while3A_49 : i32
    %while3A_51 = arith.constant 1 : i32
    scf.for %while3A_70 = %while3A_44 to %while3A_50 step %while3A_51  : i32 {
      %mul3A_71 = arith.constant 3 : i32
      %mul3A_72 = arith.muli %mul3A_71, %while3A_70 : i32
      %add3A_73 = arith.constant 0 : i32
      %add3A_74 = arith.addi %mul3A_72, %add3A_73 : i32
      %lt3A = arith.cmpi slt, %add3A_74, %select_n3A_14 : i32
      %convert_element_type3A_75 = arith.extui %lt3A : i1 to i32
      %cond3A_76 = arith.constant 0 : i32
      %cond3A_77 = arith.cmpi ne, %convert_element_type3A_75, %cond3A_76 : i32
      scf.if %cond3A_77 {
        %dma_wait3A_131 = tpu.memref_slice %arg3[%add3A_18] : memref<729088xi32, #tpu.memory_space<hbm>> -> memref<128xi32, #tpu.memory_space<hbm>>
        %dma_wait3A_132 = tpu.memref_slice %arg3[%add3A_18] : memref<729088xi32, #tpu.memory_space<hbm>> -> memref<128xi32, #tpu.memory_space<hbm>>
        tpu.wait_dma2 semaphore(%arg16 : memref<!tpu.dma_semaphore, #tpu.memory_space<semaphore_mem>>) src(%dma_wait3A_132 : memref<128xi32, #tpu.memory_space<hbm>>) dst(%arg6 : memref<128xi32, #tpu.memory_space<vmem>>)
        %dma_wait3A_133 = tpu.memref_slice %arg4[%add3A_18] : memref<729088xi32, #tpu.memory_space<hbm>> -> memref<128xi32, #tpu.memory_space<hbm>>
        %dma_wait3A_134 = tpu.memref_slice %arg4[%add3A_18] : memref<729088xi32, #tpu.memory_space<hbm>> -> memref<128xi32, #tpu.memory_space<hbm>>
        tpu.wait_dma2 semaphore(%arg16 : memref<!tpu.dma_semaphore, #tpu.memory_space<semaphore_mem>>) src(%dma_wait3A_134 : memref<128xi32, #tpu.memory_space<hbm>>) dst(%arg9 : memref<128xi32, #tpu.memory_space<vmem>>)
        %dma_start3A_135 = arith.constant 0 : i32
        %dma_start3A_136 = arith.constant 0 : i32
        %dma_start3A_137 = tpu.memref_slice %arg2[%dma_start3A_135, %dma_start3A_136] : memref<60000x128xf32, #tpu.memory_space<hbm>> -> memref<60000x128xf32, #tpu.memory_space<hbm>>
        tpu.enqueue_indirect_dma source(%dma_start3A_137 : memref<60000x128xf32, #tpu.memory_space<hbm>>) target(%arg12 : memref<128x128xf32, #tpu.memory_space<vmem>>) offsets(%arg6 : memref<128xi32, #tpu.memory_space<vmem>>) semaphore(%arg19 : memref<!tpu.dma_semaphore, #tpu.memory_space<semaphore_mem>>)
      } else {
      }
      %ge3A = arith.constant 1 : i32
      %ge3A_78 = arith.cmpi sge, %add3A_74, %ge3A : i32
      %le3A = arith.cmpi sle, %add3A_74, %select_n3A_14 : i32
      %and3A_79 = arith.andi %ge3A_78, %le3A : i1
      %convert_element_type3A_80 = arith.extui %and3A_79 : i1 to i32
      %cond3A_81 = arith.constant 0 : i32
      %cond3A_82 = arith.cmpi ne, %convert_element_type3A_80, %cond3A_81 : i32
      scf.if %cond3A_82 {
        %dma_wait3A_131 = arith.constant 0 : i32
        %dma_wait3A_132 = arith.constant 0 : i32
        %dma_wait3A_133 = tpu.memref_slice %arg2[%dma_wait3A_131, %dma_wait3A_132] : memref<60000x128xf32, #tpu.memory_space<hbm>> -> memref<60000x128xf32, #tpu.memory_space<hbm>>
        tpu.wait_indirect_dma semaphore(%arg21 : memref<!tpu.dma_semaphore, #tpu.memory_space<semaphore_mem>>) src(%dma_wait3A_133 : memref<60000x128xf32, #tpu.memory_space<hbm>>) dst(%arg14 : memref<128x128xf32, #tpu.memory_space<vmem>>)
        %dma_start3A_134 = arith.constant 0 : i32
        %dma_start3A_135 = arith.constant 0 : i32
        %dma_start3A_136 = tpu.memref_slice %arg15[%dma_start3A_134, %dma_start3A_135] : memref<10016x128xf32, #tpu.memory_space<vmem_shared>> -> memref<10016x128xf32, #tpu.memory_space<vmem_shared>>
        tpu.enqueue_indirect_dma source(%arg14 : memref<128x128xf32, #tpu.memory_space<vmem>>) target(%dma_start3A_136 : memref<10016x128xf32, #tpu.memory_space<vmem_shared>>) offsets(%arg11 : memref<128xi32, #tpu.memory_space<vmem>>) semaphore(%arg24 : memref<!tpu.dma_semaphore, #tpu.memory_space<semaphore_mem>>) {add = true}
      } else {
      }
      %add3A_83 = arith.constant 1 : i32
      %add3A_84 = arith.addi %add3A_74, %add3A_83 : i32
      %lt3A_85 = arith.cmpi slt, %add3A_84, %select_n3A_14 : i32
      %convert_element_type3A_86 = arith.extui %lt3A_85 : i1 to i32
      %cond3A_87 = arith.constant 0 : i32
      %cond3A_88 = arith.cmpi ne, %convert_element_type3A_86, %cond3A_87 : i32
      scf.if %cond3A_88 {
        %ge3A_131 = arith.constant 2 : i32
        %ge3A_132 = arith.cmpi sge, %add3A_74, %ge3A_131 : i32
        %convert_element_type3A_133 = arith.extui %ge3A_132 : i1 to i32
        %cond3A_134 = arith.constant 0 : i32
        %cond3A_135 = arith.cmpi ne, %convert_element_type3A_133, %cond3A_134 : i32
        scf.if %cond3A_135 {
          %dma_wait3A_145 = arith.constant 0 : i32
          %dma_wait3A_146 = arith.constant 0 : i32
          %dma_wait3A_147 = tpu.memref_slice %arg15[%dma_wait3A_145, %dma_wait3A_146] : memref<10016x128xf32, #tpu.memory_space<vmem_shared>> -> memref<10016x128xf32, #tpu.memory_space<vmem_shared>>
          tpu.wait_indirect_dma semaphore(%arg23 : memref<!tpu.dma_semaphore, #tpu.memory_space<semaphore_mem>>) src(%arg13 : memref<128x128xf32, #tpu.memory_space<vmem>>) dst(%dma_wait3A_147 : memref<10016x128xf32, #tpu.memory_space<vmem_shared>>)
        } else {
        }
        %add3A_136 = arith.constant 1 : i32
        %add3A_137 = arith.addi %add3A_74, %add3A_136 : i32
        %mul3A_138 = arith.constant 128 : i32
        %mul3A_139 = arith.muli %add3A_137, %mul3A_138 : i32
        %add3A_140 = arith.addi %add3A_18, %mul3A_139 : i32
        %dma_start3A_141 = tpu.memref_slice %arg3[%add3A_140] : memref<729088xi32, #tpu.memory_space<hbm>> -> memref<128xi32, #tpu.memory_space<hbm>>
        %dma_start3A_142 = tpu.memref_slice %arg3[%add3A_140] : memref<729088xi32, #tpu.memory_space<hbm>> -> memref<128xi32, #tpu.memory_space<hbm>>
        tpu.enqueue_dma source(%dma_start3A_142 : memref<128xi32, #tpu.memory_space<hbm>>) target(%arg7 : memref<128xi32, #tpu.memory_space<vmem>>) target_semaphore(%arg17 : memref<!tpu.dma_semaphore, #tpu.memory_space<semaphore_mem>>)
        %dma_start3A_143 = tpu.memref_slice %arg4[%add3A_140] : memref<729088xi32, #tpu.memory_space<hbm>> -> memref<128xi32, #tpu.memory_space<hbm>>
        %dma_start3A_144 = tpu.memref_slice %arg4[%add3A_140] : memref<729088xi32, #tpu.memory_space<hbm>> -> memref<128xi32, #tpu.memory_space<hbm>>
        tpu.enqueue_dma source(%dma_start3A_144 : memref<128xi32, #tpu.memory_space<hbm>>) target(%arg10 : memref<128xi32, #tpu.memory_space<vmem>>) target_semaphore(%arg17 : memref<!tpu.dma_semaphore, #tpu.memory_space<semaphore_mem>>)
      } else {
      }
      %mul3A_89 = arith.constant 3 : i32
      %mul3A_90 = arith.muli %mul3A_89, %while3A_70 : i32
      %add3A_91 = arith.constant 1 : i32
      %add3A_92 = arith.addi %mul3A_90, %add3A_91 : i32
      %lt3A_93 = arith.cmpi slt, %add3A_92, %select_n3A_14 : i32
      %convert_element_type3A_94 = arith.extui %lt3A_93 : i1 to i32
      %cond3A_95 = arith.constant 0 : i32
      %cond3A_96 = arith.cmpi ne, %convert_element_type3A_94, %cond3A_95 : i32
      scf.if %cond3A_96 {
        %dma_wait3A_131 = tpu.memref_slice %arg3[%add3A_18] : memref<729088xi32, #tpu.memory_space<hbm>> -> memref<128xi32, #tpu.memory_space<hbm>>
        %dma_wait3A_132 = tpu.memref_slice %arg3[%add3A_18] : memref<729088xi32, #tpu.memory_space<hbm>> -> memref<128xi32, #tpu.memory_space<hbm>>
        tpu.wait_dma2 semaphore(%arg17 : memref<!tpu.dma_semaphore, #tpu.memory_space<semaphore_mem>>) src(%dma_wait3A_132 : memref<128xi32, #tpu.memory_space<hbm>>) dst(%arg7 : memref<128xi32, #tpu.memory_space<vmem>>)
        %dma_wait3A_133 = tpu.memref_slice %arg4[%add3A_18] : memref<729088xi32, #tpu.memory_space<hbm>> -> memref<128xi32, #tpu.memory_space<hbm>>
        %dma_wait3A_134 = tpu.memref_slice %arg4[%add3A_18] : memref<729088xi32, #tpu.memory_space<hbm>> -> memref<128xi32, #tpu.memory_space<hbm>>
        tpu.wait_dma2 semaphore(%arg17 : memref<!tpu.dma_semaphore, #tpu.memory_space<semaphore_mem>>) src(%dma_wait3A_134 : memref<128xi32, #tpu.memory_space<hbm>>) dst(%arg10 : memref<128xi32, #tpu.memory_space<vmem>>)
        %dma_start3A_135 = arith.constant 0 : i32
        %dma_start3A_136 = arith.constant 0 : i32
        %dma_start3A_137 = tpu.memref_slice %arg2[%dma_start3A_135, %dma_start3A_136] : memref<60000x128xf32, #tpu.memory_space<hbm>> -> memref<60000x128xf32, #tpu.memory_space<hbm>>
        tpu.enqueue_indirect_dma source(%dma_start3A_137 : memref<60000x128xf32, #tpu.memory_space<hbm>>) target(%arg13 : memref<128x128xf32, #tpu.memory_space<vmem>>) offsets(%arg7 : memref<128xi32, #tpu.memory_space<vmem>>) semaphore(%arg20 : memref<!tpu.dma_semaphore, #tpu.memory_space<semaphore_mem>>)
      } else {
      }
      %ge3A_97 = arith.constant 1 : i32
      %ge3A_98 = arith.cmpi sge, %add3A_92, %ge3A_97 : i32
      %le3A_99 = arith.cmpi sle, %add3A_92, %select_n3A_14 : i32
      %and3A_100 = arith.andi %ge3A_98, %le3A_99 : i1
      %convert_element_type3A_101 = arith.extui %and3A_100 : i1 to i32
      %cond3A_102 = arith.constant 0 : i32
      %cond3A_103 = arith.cmpi ne, %convert_element_type3A_101, %cond3A_102 : i32
      scf.if %cond3A_103 {
        %dma_wait3A_131 = arith.constant 0 : i32
        %dma_wait3A_132 = arith.constant 0 : i32
        %dma_wait3A_133 = tpu.memref_slice %arg2[%dma_wait3A_131, %dma_wait3A_132] : memref<60000x128xf32, #tpu.memory_space<hbm>> -> memref<60000x128xf32, #tpu.memory_space<hbm>>
        tpu.wait_indirect_dma semaphore(%arg19 : memref<!tpu.dma_semaphore, #tpu.memory_space<semaphore_mem>>) src(%dma_wait3A_133 : memref<60000x128xf32, #tpu.memory_space<hbm>>) dst(%arg12 : memref<128x128xf32, #tpu.memory_space<vmem>>)
        %dma_start3A_134 = arith.constant 0 : i32
        %dma_start3A_135 = arith.constant 0 : i32
        %dma_start3A_136 = tpu.memref_slice %arg15[%dma_start3A_134, %dma_start3A_135] : memref<10016x128xf32, #tpu.memory_space<vmem_shared>> -> memref<10016x128xf32, #tpu.memory_space<vmem_shared>>
        tpu.enqueue_indirect_dma source(%arg12 : memref<128x128xf32, #tpu.memory_space<vmem>>) target(%dma_start3A_136 : memref<10016x128xf32, #tpu.memory_space<vmem_shared>>) offsets(%arg9 : memref<128xi32, #tpu.memory_space<vmem>>) semaphore(%arg22 : memref<!tpu.dma_semaphore, #tpu.memory_space<semaphore_mem>>) {add = true}
      } else {
      }
      %add3A_104 = arith.constant 1 : i32
      %add3A_105 = arith.addi %add3A_92, %add3A_104 : i32
      %lt3A_106 = arith.cmpi slt, %add3A_105, %select_n3A_14 : i32
      %convert_element_type3A_107 = arith.extui %lt3A_106 : i1 to i32
      %cond3A_108 = arith.constant 0 : i32
      %cond3A_109 = arith.cmpi ne, %convert_element_type3A_107, %cond3A_108 : i32
      scf.if %cond3A_109 {
        %ge3A_131 = arith.constant 2 : i32
        %ge3A_132 = arith.cmpi sge, %add3A_92, %ge3A_131 : i32
        %convert_element_type3A_133 = arith.extui %ge3A_132 : i1 to i32
        %cond3A_134 = arith.constant 0 : i32
        %cond3A_135 = arith.cmpi ne, %convert_element_type3A_133, %cond3A_134 : i32
        scf.if %cond3A_135 {
          %dma_wait3A_145 = arith.constant 0 : i32
          %dma_wait3A_146 = arith.constant 0 : i32
          %dma_wait3A_147 = tpu.memref_slice %arg15[%dma_wait3A_145, %dma_wait3A_146] : memref<10016x128xf32, #tpu.memory_space<vmem_shared>> -> memref<10016x128xf32, #tpu.memory_space<vmem_shared>>
          tpu.wait_indirect_dma semaphore(%arg24 : memref<!tpu.dma_semaphore, #tpu.memory_space<semaphore_mem>>) src(%arg14 : memref<128x128xf32, #tpu.memory_space<vmem>>) dst(%dma_wait3A_147 : memref<10016x128xf32, #tpu.memory_space<vmem_shared>>)
        } else {
        }
        %add3A_136 = arith.constant 1 : i32
        %add3A_137 = arith.addi %add3A_92, %add3A_136 : i32
        %mul3A_138 = arith.constant 128 : i32
        %mul3A_139 = arith.muli %add3A_137, %mul3A_138 : i32
        %add3A_140 = arith.addi %add3A_18, %mul3A_139 : i32
        %dma_start3A_141 = tpu.memref_slice %arg3[%add3A_140] : memref<729088xi32, #tpu.memory_space<hbm>> -> memref<128xi32, #tpu.memory_space<hbm>>
        %dma_start3A_142 = tpu.memref_slice %arg3[%add3A_140] : memref<729088xi32, #tpu.memory_space<hbm>> -> memref<128xi32, #tpu.memory_space<hbm>>
        tpu.enqueue_dma source(%dma_start3A_142 : memref<128xi32, #tpu.memory_space<hbm>>) target(%arg8 : memref<128xi32, #tpu.memory_space<vmem>>) target_semaphore(%arg18 : memref<!tpu.dma_semaphore, #tpu.memory_space<semaphore_mem>>)
        %dma_start3A_143 = tpu.memref_slice %arg4[%add3A_140] : memref<729088xi32, #tpu.memory_space<hbm>> -> memref<128xi32, #tpu.memory_space<hbm>>
        %dma_start3A_144 = tpu.memref_slice %arg4[%add3A_140] : memref<729088xi32, #tpu.memory_space<hbm>> -> memref<128xi32, #tpu.memory_space<hbm>>
        tpu.enqueue_dma source(%dma_start3A_144 : memref<128xi32, #tpu.memory_space<hbm>>) target(%arg11 : memref<128xi32, #tpu.memory_space<vmem>>) target_semaphore(%arg18 : memref<!tpu.dma_semaphore, #tpu.memory_space<semaphore_mem>>)
      } else {
      }
      %mul3A_110 = arith.constant 3 : i32
      %mul3A_111 = arith.muli %mul3A_110, %while3A_70 : i32
      %add3A_112 = arith.constant 2 : i32
      %add3A_113 = arith.addi %mul3A_111, %add3A_112 : i32
      %lt3A_114 = arith.cmpi slt, %add3A_113, %select_n3A_14 : i32
      %convert_element_type3A_115 = arith.extui %lt3A_114 : i1 to i32
      %cond3A_116 = arith.constant 0 : i32
      %cond3A_117 = arith.cmpi ne, %convert_element_type3A_115, %cond3A_116 : i32
      scf.if %cond3A_117 {
        %dma_wait3A_131 = tpu.memref_slice %arg3[%add3A_18] : memref<729088xi32, #tpu.memory_space<hbm>> -> memref<128xi32, #tpu.memory_space<hbm>>
        %dma_wait3A_132 = tpu.memref_slice %arg3[%add3A_18] : memref<729088xi32, #tpu.memory_space<hbm>> -> memref<128xi32, #tpu.memory_space<hbm>>
        tpu.wait_dma2 semaphore(%arg18 : memref<!tpu.dma_semaphore, #tpu.memory_space<semaphore_mem>>) src(%dma_wait3A_132 : memref<128xi32, #tpu.memory_space<hbm>>) dst(%arg8 : memref<128xi32, #tpu.memory_space<vmem>>)
        %dma_wait3A_133 = tpu.memref_slice %arg4[%add3A_18] : memref<729088xi32, #tpu.memory_space<hbm>> -> memref<128xi32, #tpu.memory_space<hbm>>
        %dma_wait3A_134 = tpu.memref_slice %arg4[%add3A_18] : memref<729088xi32, #tpu.memory_space<hbm>> -> memref<128xi32, #tpu.memory_space<hbm>>
        tpu.wait_dma2 semaphore(%arg18 : memref<!tpu.dma_semaphore, #tpu.memory_space<semaphore_mem>>) src(%dma_wait3A_134 : memref<128xi32, #tpu.memory_space<hbm>>) dst(%arg11 : memref<128xi32, #tpu.memory_space<vmem>>)
        %dma_start3A_135 = arith.constant 0 : i32
        %dma_start3A_136 = arith.constant 0 : i32
        %dma_start3A_137 = tpu.memref_slice %arg2[%dma_start3A_135, %dma_start3A_136] : memref<60000x128xf32, #tpu.memory_space<hbm>> -> memref<60000x128xf32, #tpu.memory_space<hbm>>
        tpu.enqueue_indirect_dma source(%dma_start3A_137 : memref<60000x128xf32, #tpu.memory_space<hbm>>) target(%arg14 : memref<128x128xf32, #tpu.memory_space<vmem>>) offsets(%arg8 : memref<128xi32, #tpu.memory_space<vmem>>) semaphore(%arg21 : memref<!tpu.dma_semaphore, #tpu.memory_space<semaphore_mem>>)
      } else {
      }
      %ge3A_118 = arith.constant 1 : i32
      %ge3A_119 = arith.cmpi sge, %add3A_113, %ge3A_118 : i32
      %le3A_120 = arith.cmpi sle, %add3A_113, %select_n3A_14 : i32
      %and3A_121 = arith.andi %ge3A_119, %le3A_120 : i1
      %convert_element_type3A_122 = arith.extui %and3A_121 : i1 to i32
      %cond3A_123 = arith.constant 0 : i32
      %cond3A_124 = arith.cmpi ne, %convert_element_type3A_122, %cond3A_123 : i32
      scf.if %cond3A_124 {
        %dma_wait3A_131 = arith.constant 0 : i32
        %dma_wait3A_132 = arith.constant 0 : i32
        %dma_wait3A_133 = tpu.memref_slice %arg2[%dma_wait3A_131, %dma_wait3A_132] : memref<60000x128xf32, #tpu.memory_space<hbm>> -> memref<60000x128xf32, #tpu.memory_space<hbm>>
        tpu.wait_indirect_dma semaphore(%arg20 : memref<!tpu.dma_semaphore, #tpu.memory_space<semaphore_mem>>) src(%dma_wait3A_133 : memref<60000x128xf32, #tpu.memory_space<hbm>>) dst(%arg13 : memref<128x128xf32, #tpu.memory_space<vmem>>)
        %dma_start3A_134 = arith.constant 0 : i32
        %dma_start3A_135 = arith.constant 0 : i32
        %dma_start3A_136 = tpu.memref_slice %arg15[%dma_start3A_134, %dma_start3A_135] : memref<10016x128xf32, #tpu.memory_space<vmem_shared>> -> memref<10016x128xf32, #tpu.memory_space<vmem_shared>>
        tpu.enqueue_indirect_dma source(%arg13 : memref<128x128xf32, #tpu.memory_space<vmem>>) target(%dma_start3A_136 : memref<10016x128xf32, #tpu.memory_space<vmem_shared>>) offsets(%arg10 : memref<128xi32, #tpu.memory_space<vmem>>) semaphore(%arg23 : memref<!tpu.dma_semaphore, #tpu.memory_space<semaphore_mem>>) {add = true}
      } else {
      }
      %add3A_125 = arith.constant 1 : i32
      %add3A_126 = arith.addi %add3A_113, %add3A_125 : i32
      %lt3A_127 = arith.cmpi slt, %add3A_126, %select_n3A_14 : i32
      %convert_element_type3A_128 = arith.extui %lt3A_127 : i1 to i32
      %cond3A_129 = arith.constant 0 : i32
      %cond3A_130 = arith.cmpi ne, %convert_element_type3A_128, %cond3A_129 : i32
      scf.if %cond3A_130 {
        %ge3A_131 = arith.constant 2 : i32
        %ge3A_132 = arith.cmpi sge, %add3A_113, %ge3A_131 : i32
        %convert_element_type3A_133 = arith.extui %ge3A_132 : i1 to i32
        %cond3A_134 = arith.constant 0 : i32
        %cond3A_135 = arith.cmpi ne, %convert_element_type3A_133, %cond3A_134 : i32
        scf.if %cond3A_135 {
          %dma_wait3A_145 = arith.constant 0 : i32
          %dma_wait3A_146 = arith.constant 0 : i32
          %dma_wait3A_147 = tpu.memref_slice %arg15[%dma_wait3A_145, %dma_wait3A_146] : memref<10016x128xf32, #tpu.memory_space<vmem_shared>> -> memref<10016x128xf32, #tpu.memory_space<vmem_shared>>
          tpu.wait_indirect_dma semaphore(%arg22 : memref<!tpu.dma_semaphore, #tpu.memory_space<semaphore_mem>>) src(%arg12 : memref<128x128xf32, #tpu.memory_space<vmem>>) dst(%dma_wait3A_147 : memref<10016x128xf32, #tpu.memory_space<vmem_shared>>)
        } else {
        }
        %add3A_136 = arith.constant 1 : i32
        %add3A_137 = arith.addi %add3A_113, %add3A_136 : i32
        %mul3A_138 = arith.constant 128 : i32
        %mul3A_139 = arith.muli %add3A_137, %mul3A_138 : i32
        %add3A_140 = arith.addi %add3A_18, %mul3A_139 : i32
        %dma_start3A_141 = tpu.memref_slice %arg3[%add3A_140] : memref<729088xi32, #tpu.memory_space<hbm>> -> memref<128xi32, #tpu.memory_space<hbm>>
        %dma_start3A_142 = tpu.memref_slice %arg3[%add3A_140] : memref<729088xi32, #tpu.memory_space<hbm>> -> memref<128xi32, #tpu.memory_space<hbm>>
        tpu.enqueue_dma source(%dma_start3A_142 : memref<128xi32, #tpu.memory_space<hbm>>) target(%arg6 : memref<128xi32, #tpu.memory_space<vmem>>) target_semaphore(%arg16 : memref<!tpu.dma_semaphore, #tpu.memory_space<semaphore_mem>>)
        %dma_start3A_143 = tpu.memref_slice %arg4[%add3A_140] : memref<729088xi32, #tpu.memory_space<hbm>> -> memref<128xi32, #tpu.memory_space<hbm>>
        %dma_start3A_144 = tpu.memref_slice %arg4[%add3A_140] : memref<729088xi32, #tpu.memory_space<hbm>> -> memref<128xi32, #tpu.memory_space<hbm>>
        tpu.enqueue_dma source(%dma_start3A_144 : memref<128xi32, #tpu.memory_space<hbm>>) target(%arg9 : memref<128xi32, #tpu.memory_space<vmem>>) target_semaphore(%arg16 : memref<!tpu.dma_semaphore, #tpu.memory_space<semaphore_mem>>)
      } else {
      }
    }
    %while3A_52 = arith.constant 1 : i32
    scf.for %while3A_70 = %while3A_50 to %while3A_46 step %while3A_52  : i32 {
      %mul3A_71 = arith.constant 3 : i32
      %mul3A_72 = arith.muli %mul3A_71, %while3A_70 : i32
      %add3A_73 = arith.constant 0 : i32
      %add3A_74 = arith.addi %mul3A_72, %add3A_73 : i32
      %lt3A = arith.cmpi slt, %add3A_74, %select_n3A_14 : i32
      %convert_element_type3A_75 = arith.extui %lt3A : i1 to i32
      %cond3A_76 = arith.constant 0 : i32
      %cond3A_77 = arith.cmpi ne, %convert_element_type3A_75, %cond3A_76 : i32
      scf.if %cond3A_77 {
        %dma_wait3A_131 = tpu.memref_slice %arg3[%add3A_18] : memref<729088xi32, #tpu.memory_space<hbm>> -> memref<128xi32, #tpu.memory_space<hbm>>
        %dma_wait3A_132 = tpu.memref_slice %arg3[%add3A_18] : memref<729088xi32, #tpu.memory_space<hbm>> -> memref<128xi32, #tpu.memory_space<hbm>>
        tpu.wait_dma2 semaphore(%arg16 : memref<!tpu.dma_semaphore, #tpu.memory_space<semaphore_mem>>) src(%dma_wait3A_132 : memref<128xi32, #tpu.memory_space<hbm>>) dst(%arg6 : memref<128xi32, #tpu.memory_space<vmem>>)
        %dma_wait3A_133 = tpu.memref_slice %arg4[%add3A_18] : memref<729088xi32, #tpu.memory_space<hbm>> -> memref<128xi32, #tpu.memory_space<hbm>>
        %dma_wait3A_134 = tpu.memref_slice %arg4[%add3A_18] : memref<729088xi32, #tpu.memory_space<hbm>> -> memref<128xi32, #tpu.memory_space<hbm>>
        tpu.wait_dma2 semaphore(%arg16 : memref<!tpu.dma_semaphore, #tpu.memory_space<semaphore_mem>>) src(%dma_wait3A_134 : memref<128xi32, #tpu.memory_space<hbm>>) dst(%arg9 : memref<128xi32, #tpu.memory_space<vmem>>)
        %dma_start3A_135 = arith.constant 0 : i32
        %dma_start3A_136 = arith.constant 0 : i32
        %dma_start3A_137 = tpu.memref_slice %arg2[%dma_start3A_135, %dma_start3A_136] : memref<60000x128xf32, #tpu.memory_space<hbm>> -> memref<60000x128xf32, #tpu.memory_space<hbm>>
        tpu.enqueue_indirect_dma source(%dma_start3A_137 : memref<60000x128xf32, #tpu.memory_space<hbm>>) target(%arg12 : memref<128x128xf32, #tpu.memory_space<vmem>>) offsets(%arg6 : memref<128xi32, #tpu.memory_space<vmem>>) semaphore(%arg19 : memref<!tpu.dma_semaphore, #tpu.memory_space<semaphore_mem>>)
      } else {
      }
      %ge3A = arith.constant 1 : i32
      %ge3A_78 = arith.cmpi sge, %add3A_74, %ge3A : i32
      %le3A = arith.cmpi sle, %add3A_74, %select_n3A_14 : i32
      %and3A_79 = arith.andi %ge3A_78, %le3A : i1
      %convert_element_type3A_80 = arith.extui %and3A_79 : i1 to i32
      %cond3A_81 = arith.constant 0 : i32
      %cond3A_82 = arith.cmpi ne, %convert_element_type3A_80, %cond3A_81 : i32
      scf.if %cond3A_82 {
        %dma_wait3A_131 = arith.constant 0 : i32
        %dma_wait3A_132 = arith.constant 0 : i32
        %dma_wait3A_133 = tpu.memref_slice %arg2[%dma_wait3A_131, %dma_wait3A_132] : memref<60000x128xf32, #tpu.memory_space<hbm>> -> memref<60000x128xf32, #tpu.memory_space<hbm>>
        tpu.wait_indirect_dma semaphore(%arg21 : memref<!tpu.dma_semaphore, #tpu.memory_space<semaphore_mem>>) src(%dma_wait3A_133 : memref<60000x128xf32, #tpu.memory_space<hbm>>) dst(%arg14 : memref<128x128xf32, #tpu.memory_space<vmem>>)
        %dma_start3A_134 = arith.constant 0 : i32
        %dma_start3A_135 = arith.constant 0 : i32
        %dma_start3A_136 = tpu.memref_slice %arg15[%dma_start3A_134, %dma_start3A_135] : memref<10016x128xf32, #tpu.memory_space<vmem_shared>> -> memref<10016x128xf32, #tpu.memory_space<vmem_shared>>
        tpu.enqueue_indirect_dma source(%arg14 : memref<128x128xf32, #tpu.memory_space<vmem>>) target(%dma_start3A_136 : memref<10016x128xf32, #tpu.memory_space<vmem_shared>>) offsets(%arg11 : memref<128xi32, #tpu.memory_space<vmem>>) semaphore(%arg24 : memref<!tpu.dma_semaphore, #tpu.memory_space<semaphore_mem>>) {add = true}
      } else {
      }
      %add3A_83 = arith.constant 1 : i32
      %add3A_84 = arith.addi %add3A_74, %add3A_83 : i32
      %lt3A_85 = arith.cmpi slt, %add3A_84, %select_n3A_14 : i32
      %convert_element_type3A_86 = arith.extui %lt3A_85 : i1 to i32
      %cond3A_87 = arith.constant 0 : i32
      %cond3A_88 = arith.cmpi ne, %convert_element_type3A_86, %cond3A_87 : i32
      scf.if %cond3A_88 {
        %ge3A_131 = arith.constant 2 : i32
        %ge3A_132 = arith.cmpi sge, %add3A_74, %ge3A_131 : i32
        %convert_element_type3A_133 = arith.extui %ge3A_132 : i1 to i32
        %cond3A_134 = arith.constant 0 : i32
        %cond3A_135 = arith.cmpi ne, %convert_element_type3A_133, %cond3A_134 : i32
        scf.if %cond3A_135 {
          %dma_wait3A_145 = arith.constant 0 : i32
          %dma_wait3A_146 = arith.constant 0 : i32
          %dma_wait3A_147 = tpu.memref_slice %arg15[%dma_wait3A_145, %dma_wait3A_146] : memref<10016x128xf32, #tpu.memory_space<vmem_shared>> -> memref<10016x128xf32, #tpu.memory_space<vmem_shared>>
          tpu.wait_indirect_dma semaphore(%arg23 : memref<!tpu.dma_semaphore, #tpu.memory_space<semaphore_mem>>) src(%arg13 : memref<128x128xf32, #tpu.memory_space<vmem>>) dst(%dma_wait3A_147 : memref<10016x128xf32, #tpu.memory_space<vmem_shared>>)
        } else {
        }
        %add3A_136 = arith.constant 1 : i32
        %add3A_137 = arith.addi %add3A_74, %add3A_136 : i32
        %mul3A_138 = arith.constant 128 : i32
        %mul3A_139 = arith.muli %add3A_137, %mul3A_138 : i32
        %add3A_140 = arith.addi %add3A_18, %mul3A_139 : i32
        %dma_start3A_141 = tpu.memref_slice %arg3[%add3A_140] : memref<729088xi32, #tpu.memory_space<hbm>> -> memref<128xi32, #tpu.memory_space<hbm>>
        %dma_start3A_142 = tpu.memref_slice %arg3[%add3A_140] : memref<729088xi32, #tpu.memory_space<hbm>> -> memref<128xi32, #tpu.memory_space<hbm>>
        tpu.enqueue_dma source(%dma_start3A_142 : memref<128xi32, #tpu.memory_space<hbm>>) target(%arg7 : memref<128xi32, #tpu.memory_space<vmem>>) target_semaphore(%arg17 : memref<!tpu.dma_semaphore, #tpu.memory_space<semaphore_mem>>)
        %dma_start3A_143 = tpu.memref_slice %arg4[%add3A_140] : memref<729088xi32, #tpu.memory_space<hbm>> -> memref<128xi32, #tpu.memory_space<hbm>>
        %dma_start3A_144 = tpu.memref_slice %arg4[%add3A_140] : memref<729088xi32, #tpu.memory_space<hbm>> -> memref<128xi32, #tpu.memory_space<hbm>>
        tpu.enqueue_dma source(%dma_start3A_144 : memref<128xi32, #tpu.memory_space<hbm>>) target(%arg10 : memref<128xi32, #tpu.memory_space<vmem>>) target_semaphore(%arg17 : memref<!tpu.dma_semaphore, #tpu.memory_space<semaphore_mem>>)
      } else {
      }
      %mul3A_89 = arith.constant 3 : i32
      %mul3A_90 = arith.muli %mul3A_89, %while3A_70 : i32
      %add3A_91 = arith.constant 1 : i32
      %add3A_92 = arith.addi %mul3A_90, %add3A_91 : i32
      %lt3A_93 = arith.cmpi slt, %add3A_92, %select_n3A_14 : i32
      %convert_element_type3A_94 = arith.extui %lt3A_93 : i1 to i32
      %cond3A_95 = arith.constant 0 : i32
      %cond3A_96 = arith.cmpi ne, %convert_element_type3A_94, %cond3A_95 : i32
      scf.if %cond3A_96 {
        %dma_wait3A_131 = tpu.memref_slice %arg3[%add3A_18] : memref<729088xi32, #tpu.memory_space<hbm>> -> memref<128xi32, #tpu.memory_space<hbm>>
        %dma_wait3A_132 = tpu.memref_slice %arg3[%add3A_18] : memref<729088xi32, #tpu.memory_space<hbm>> -> memref<128xi32, #tpu.memory_space<hbm>>
        tpu.wait_dma2 semaphore(%arg17 : memref<!tpu.dma_semaphore, #tpu.memory_space<semaphore_mem>>) src(%dma_wait3A_132 : memref<128xi32, #tpu.memory_space<hbm>>) dst(%arg7 : memref<128xi32, #tpu.memory_space<vmem>>)
        %dma_wait3A_133 = tpu.memref_slice %arg4[%add3A_18] : memref<729088xi32, #tpu.memory_space<hbm>> -> memref<128xi32, #tpu.memory_space<hbm>>
        %dma_wait3A_134 = tpu.memref_slice %arg4[%add3A_18] : memref<729088xi32, #tpu.memory_space<hbm>> -> memref<128xi32, #tpu.memory_space<hbm>>
        tpu.wait_dma2 semaphore(%arg17 : memref<!tpu.dma_semaphore, #tpu.memory_space<semaphore_mem>>) src(%dma_wait3A_134 : memref<128xi32, #tpu.memory_space<hbm>>) dst(%arg10 : memref<128xi32, #tpu.memory_space<vmem>>)
        %dma_start3A_135 = arith.constant 0 : i32
        %dma_start3A_136 = arith.constant 0 : i32
        %dma_start3A_137 = tpu.memref_slice %arg2[%dma_start3A_135, %dma_start3A_136] : memref<60000x128xf32, #tpu.memory_space<hbm>> -> memref<60000x128xf32, #tpu.memory_space<hbm>>
        tpu.enqueue_indirect_dma source(%dma_start3A_137 : memref<60000x128xf32, #tpu.memory_space<hbm>>) target(%arg13 : memref<128x128xf32, #tpu.memory_space<vmem>>) offsets(%arg7 : memref<128xi32, #tpu.memory_space<vmem>>) semaphore(%arg20 : memref<!tpu.dma_semaphore, #tpu.memory_space<semaphore_mem>>)
      } else {
      }
      %ge3A_97 = arith.constant 1 : i32
      %ge3A_98 = arith.cmpi sge, %add3A_92, %ge3A_97 : i32
      %le3A_99 = arith.cmpi sle, %add3A_92, %select_n3A_14 : i32
      %and3A_100 = arith.andi %ge3A_98, %le3A_99 : i1
      %convert_element_type3A_101 = arith.extui %and3A_100 : i1 to i32
      %cond3A_102 = arith.constant 0 : i32
      %cond3A_103 = arith.cmpi ne, %convert_element_type3A_101, %cond3A_102 : i32
      scf.if %cond3A_103 {
        %dma_wait3A_131 = arith.constant 0 : i32
        %dma_wait3A_132 = arith.constant 0 : i32
        %dma_wait3A_133 = tpu.memref_slice %arg2[%dma_wait3A_131, %dma_wait3A_132] : memref<60000x128xf32, #tpu.memory_space<hbm>> -> memref<60000x128xf32, #tpu.memory_space<hbm>>
        tpu.wait_indirect_dma semaphore(%arg19 : memref<!tpu.dma_semaphore, #tpu.memory_space<semaphore_mem>>) src(%dma_wait3A_133 : memref<60000x128xf32, #tpu.memory_space<hbm>>) dst(%arg12 : memref<128x128xf32, #tpu.memory_space<vmem>>)
        %dma_start3A_134 = arith.constant 0 : i32
        %dma_start3A_135 = arith.constant 0 : i32
        %dma_start3A_136 = tpu.memref_slice %arg15[%dma_start3A_134, %dma_start3A_135] : memref<10016x128xf32, #tpu.memory_space<vmem_shared>> -> memref<10016x128xf32, #tpu.memory_space<vmem_shared>>
        tpu.enqueue_indirect_dma source(%arg12 : memref<128x128xf32, #tpu.memory_space<vmem>>) target(%dma_start3A_136 : memref<10016x128xf32, #tpu.memory_space<vmem_shared>>) offsets(%arg9 : memref<128xi32, #tpu.memory_space<vmem>>) semaphore(%arg22 : memref<!tpu.dma_semaphore, #tpu.memory_space<semaphore_mem>>) {add = true}
      } else {
      }
      %add3A_104 = arith.constant 1 : i32
      %add3A_105 = arith.addi %add3A_92, %add3A_104 : i32
      %lt3A_106 = arith.cmpi slt, %add3A_105, %select_n3A_14 : i32
      %convert_element_type3A_107 = arith.extui %lt3A_106 : i1 to i32
      %cond3A_108 = arith.constant 0 : i32
      %cond3A_109 = arith.cmpi ne, %convert_element_type3A_107, %cond3A_108 : i32
      scf.if %cond3A_109 {
        %ge3A_131 = arith.constant 2 : i32
        %ge3A_132 = arith.cmpi sge, %add3A_92, %ge3A_131 : i32
        %convert_element_type3A_133 = arith.extui %ge3A_132 : i1 to i32
        %cond3A_134 = arith.constant 0 : i32
        %cond3A_135 = arith.cmpi ne, %convert_element_type3A_133, %cond3A_134 : i32
        scf.if %cond3A_135 {
          %dma_wait3A_145 = arith.constant 0 : i32
          %dma_wait3A_146 = arith.constant 0 : i32
          %dma_wait3A_147 = tpu.memref_slice %arg15[%dma_wait3A_145, %dma_wait3A_146] : memref<10016x128xf32, #tpu.memory_space<vmem_shared>> -> memref<10016x128xf32, #tpu.memory_space<vmem_shared>>
          tpu.wait_indirect_dma semaphore(%arg24 : memref<!tpu.dma_semaphore, #tpu.memory_space<semaphore_mem>>) src(%arg14 : memref<128x128xf32, #tpu.memory_space<vmem>>) dst(%dma_wait3A_147 : memref<10016x128xf32, #tpu.memory_space<vmem_shared>>)
        } else {
        }
        %add3A_136 = arith.constant 1 : i32
        %add3A_137 = arith.addi %add3A_92, %add3A_136 : i32
        %mul3A_138 = arith.constant 128 : i32
        %mul3A_139 = arith.muli %add3A_137, %mul3A_138 : i32
        %add3A_140 = arith.addi %add3A_18, %mul3A_139 : i32
        %dma_start3A_141 = tpu.memref_slice %arg3[%add3A_140] : memref<729088xi32, #tpu.memory_space<hbm>> -> memref<128xi32, #tpu.memory_space<hbm>>
        %dma_start3A_142 = tpu.memref_slice %arg3[%add3A_140] : memref<729088xi32, #tpu.memory_space<hbm>> -> memref<128xi32, #tpu.memory_space<hbm>>
        tpu.enqueue_dma source(%dma_start3A_142 : memref<128xi32, #tpu.memory_space<hbm>>) target(%arg8 : memref<128xi32, #tpu.memory_space<vmem>>) target_semaphore(%arg18 : memref<!tpu.dma_semaphore, #tpu.memory_space<semaphore_mem>>)
        %dma_start3A_143 = tpu.memref_slice %arg4[%add3A_140] : memref<729088xi32, #tpu.memory_space<hbm>> -> memref<128xi32, #tpu.memory_space<hbm>>
        %dma_start3A_144 = tpu.memref_slice %arg4[%add3A_140] : memref<729088xi32, #tpu.memory_space<hbm>> -> memref<128xi32, #tpu.memory_space<hbm>>
        tpu.enqueue_dma source(%dma_start3A_144 : memref<128xi32, #tpu.memory_space<hbm>>) target(%arg11 : memref<128xi32, #tpu.memory_space<vmem>>) target_semaphore(%arg18 : memref<!tpu.dma_semaphore, #tpu.memory_space<semaphore_mem>>)
      } else {
      }
      %mul3A_110 = arith.constant 3 : i32
      %mul3A_111 = arith.muli %mul3A_110, %while3A_70 : i32
      %add3A_112 = arith.constant 2 : i32
      %add3A_113 = arith.addi %mul3A_111, %add3A_112 : i32
      %lt3A_114 = arith.cmpi slt, %add3A_113, %select_n3A_14 : i32
      %convert_element_type3A_115 = arith.extui %lt3A_114 : i1 to i32
      %cond3A_116 = arith.constant 0 : i32
      %cond3A_117 = arith.cmpi ne, %convert_element_type3A_115, %cond3A_116 : i32
      scf.if %cond3A_117 {
        %dma_wait3A_131 = tpu.memref_slice %arg3[%add3A_18] : memref<729088xi32, #tpu.memory_space<hbm>> -> memref<128xi32, #tpu.memory_space<hbm>>
        %dma_wait3A_132 = tpu.memref_slice %arg3[%add3A_18] : memref<729088xi32, #tpu.memory_space<hbm>> -> memref<128xi32, #tpu.memory_space<hbm>>
        tpu.wait_dma2 semaphore(%arg18 : memref<!tpu.dma_semaphore, #tpu.memory_space<semaphore_mem>>) src(%dma_wait3A_132 : memref<128xi32, #tpu.memory_space<hbm>>) dst(%arg8 : memref<128xi32, #tpu.memory_space<vmem>>)
        %dma_wait3A_133 = tpu.memref_slice %arg4[%add3A_18] : memref<729088xi32, #tpu.memory_space<hbm>> -> memref<128xi32, #tpu.memory_space<hbm>>
        %dma_wait3A_134 = tpu.memref_slice %arg4[%add3A_18] : memref<729088xi32, #tpu.memory_space<hbm>> -> memref<128xi32, #tpu.memory_space<hbm>>
        tpu.wait_dma2 semaphore(%arg18 : memref<!tpu.dma_semaphore, #tpu.memory_space<semaphore_mem>>) src(%dma_wait3A_134 : memref<128xi32, #tpu.memory_space<hbm>>) dst(%arg11 : memref<128xi32, #tpu.memory_space<vmem>>)
        %dma_start3A_135 = arith.constant 0 : i32
        %dma_start3A_136 = arith.constant 0 : i32
        %dma_start3A_137 = tpu.memref_slice %arg2[%dma_start3A_135, %dma_start3A_136] : memref<60000x128xf32, #tpu.memory_space<hbm>> -> memref<60000x128xf32, #tpu.memory_space<hbm>>
        tpu.enqueue_indirect_dma source(%dma_start3A_137 : memref<60000x128xf32, #tpu.memory_space<hbm>>) target(%arg14 : memref<128x128xf32, #tpu.memory_space<vmem>>) offsets(%arg8 : memref<128xi32, #tpu.memory_space<vmem>>) semaphore(%arg21 : memref<!tpu.dma_semaphore, #tpu.memory_space<semaphore_mem>>)
      } else {
      }
      %ge3A_118 = arith.constant 1 : i32
      %ge3A_119 = arith.cmpi sge, %add3A_113, %ge3A_118 : i32
      %le3A_120 = arith.cmpi sle, %add3A_113, %select_n3A_14 : i32
      %and3A_121 = arith.andi %ge3A_119, %le3A_120 : i1
      %convert_element_type3A_122 = arith.extui %and3A_121 : i1 to i32
      %cond3A_123 = arith.constant 0 : i32
      %cond3A_124 = arith.cmpi ne, %convert_element_type3A_122, %cond3A_123 : i32
      scf.if %cond3A_124 {
        %dma_wait3A_131 = arith.constant 0 : i32
        %dma_wait3A_132 = arith.constant 0 : i32
        %dma_wait3A_133 = tpu.memref_slice %arg2[%dma_wait3A_131, %dma_wait3A_132] : memref<60000x128xf32, #tpu.memory_space<hbm>> -> memref<60000x128xf32, #tpu.memory_space<hbm>>
        tpu.wait_indirect_dma semaphore(%arg20 : memref<!tpu.dma_semaphore, #tpu.memory_space<semaphore_mem>>) src(%dma_wait3A_133 : memref<60000x128xf32, #tpu.memory_space<hbm>>) dst(%arg13 : memref<128x128xf32, #tpu.memory_space<vmem>>)
        %dma_start3A_134 = arith.constant 0 : i32
        %dma_start3A_135 = arith.constant 0 : i32
        %dma_start3A_136 = tpu.memref_slice %arg15[%dma_start3A_134, %dma_start3A_135] : memref<10016x128xf32, #tpu.memory_space<vmem_shared>> -> memref<10016x128xf32, #tpu.memory_space<vmem_shared>>
        tpu.enqueue_indirect_dma source(%arg13 : memref<128x128xf32, #tpu.memory_space<vmem>>) target(%dma_start3A_136 : memref<10016x128xf32, #tpu.memory_space<vmem_shared>>) offsets(%arg10 : memref<128xi32, #tpu.memory_space<vmem>>) semaphore(%arg23 : memref<!tpu.dma_semaphore, #tpu.memory_space<semaphore_mem>>) {add = true}
      } else {
      }
      %add3A_125 = arith.constant 1 : i32
      %add3A_126 = arith.addi %add3A_113, %add3A_125 : i32
      %lt3A_127 = arith.cmpi slt, %add3A_126, %select_n3A_14 : i32
      %convert_element_type3A_128 = arith.extui %lt3A_127 : i1 to i32
      %cond3A_129 = arith.constant 0 : i32
      %cond3A_130 = arith.cmpi ne, %convert_element_type3A_128, %cond3A_129 : i32
      scf.if %cond3A_130 {
        %ge3A_131 = arith.constant 2 : i32
        %ge3A_132 = arith.cmpi sge, %add3A_113, %ge3A_131 : i32
        %convert_element_type3A_133 = arith.extui %ge3A_132 : i1 to i32
        %cond3A_134 = arith.constant 0 : i32
        %cond3A_135 = arith.cmpi ne, %convert_element_type3A_133, %cond3A_134 : i32
        scf.if %cond3A_135 {
          %dma_wait3A_145 = arith.constant 0 : i32
          %dma_wait3A_146 = arith.constant 0 : i32
          %dma_wait3A_147 = tpu.memref_slice %arg15[%dma_wait3A_145, %dma_wait3A_146] : memref<10016x128xf32, #tpu.memory_space<vmem_shared>> -> memref<10016x128xf32, #tpu.memory_space<vmem_shared>>
          tpu.wait_indirect_dma semaphore(%arg22 : memref<!tpu.dma_semaphore, #tpu.memory_space<semaphore_mem>>) src(%arg12 : memref<128x128xf32, #tpu.memory_space<vmem>>) dst(%dma_wait3A_147 : memref<10016x128xf32, #tpu.memory_space<vmem_shared>>)
        } else {
        }
        %add3A_136 = arith.constant 1 : i32
        %add3A_137 = arith.addi %add3A_113, %add3A_136 : i32
        %mul3A_138 = arith.constant 128 : i32
        %mul3A_139 = arith.muli %add3A_137, %mul3A_138 : i32
        %add3A_140 = arith.addi %add3A_18, %mul3A_139 : i32
        %dma_start3A_141 = tpu.memref_slice %arg3[%add3A_140] : memref<729088xi32, #tpu.memory_space<hbm>> -> memref<128xi32, #tpu.memory_space<hbm>>
        %dma_start3A_142 = tpu.memref_slice %arg3[%add3A_140] : memref<729088xi32, #tpu.memory_space<hbm>> -> memref<128xi32, #tpu.memory_space<hbm>>
        tpu.enqueue_dma source(%dma_start3A_142 : memref<128xi32, #tpu.memory_space<hbm>>) target(%arg6 : memref<128xi32, #tpu.memory_space<vmem>>) target_semaphore(%arg16 : memref<!tpu.dma_semaphore, #tpu.memory_space<semaphore_mem>>)
        %dma_start3A_143 = tpu.memref_slice %arg4[%add3A_140] : memref<729088xi32, #tpu.memory_space<hbm>> -> memref<128xi32, #tpu.memory_space<hbm>>
        %dma_start3A_144 = tpu.memref_slice %arg4[%add3A_140] : memref<729088xi32, #tpu.memory_space<hbm>> -> memref<128xi32, #tpu.memory_space<hbm>>
        tpu.enqueue_dma source(%dma_start3A_144 : memref<128xi32, #tpu.memory_space<hbm>>) target(%arg9 : memref<128xi32, #tpu.memory_space<vmem>>) target_semaphore(%arg16 : memref<!tpu.dma_semaphore, #tpu.memory_space<semaphore_mem>>)
      } else {
      }
    }
    %dma_wait3A = arith.constant 0 : i32
    %dma_wait3A_53 = arith.constant 0 : i32
    %dma_wait3A_54 = tpu.memref_slice %arg15[%dma_wait3A, %dma_wait3A_53] : memref<10016x128xf32, #tpu.memory_space<vmem_shared>> -> memref<10016x128xf32, #tpu.memory_space<vmem_shared>>
    tpu.wait_indirect_dma semaphore(%arg22 : memref<!tpu.dma_semaphore, #tpu.memory_space<semaphore_mem>>) src(%arg12 : memref<128x128xf32, #tpu.memory_space<vmem>>) dst(%dma_wait3A_54 : memref<10016x128xf32, #tpu.memory_space<vmem_shared>>)
    %dma_wait3A_55 = arith.constant 0 : i32
    %dma_wait3A_56 = arith.constant 0 : i32
    %dma_wait3A_57 = tpu.memref_slice %arg15[%dma_wait3A_55, %dma_wait3A_56] : memref<10016x128xf32, #tpu.memory_space<vmem_shared>> -> memref<10016x128xf32, #tpu.memory_space<vmem_shared>>
    tpu.wait_indirect_dma semaphore(%arg23 : memref<!tpu.dma_semaphore, #tpu.memory_space<semaphore_mem>>) src(%arg13 : memref<128x128xf32, #tpu.memory_space<vmem>>) dst(%dma_wait3A_57 : memref<10016x128xf32, #tpu.memory_space<vmem_shared>>)
    %dma_wait3A_58 = arith.constant 0 : i32
    %dma_wait3A_59 = arith.constant 0 : i32
    %dma_wait3A_60 = tpu.memref_slice %arg15[%dma_wait3A_58, %dma_wait3A_59] : memref<10016x128xf32, #tpu.memory_space<vmem_shared>> -> memref<10016x128xf32, #tpu.memory_space<vmem_shared>>
    tpu.wait_indirect_dma semaphore(%arg24 : memref<!tpu.dma_semaphore, #tpu.memory_space<semaphore_mem>>) src(%arg14 : memref<128x128xf32, #tpu.memory_space<vmem>>) dst(%dma_wait3A_60 : memref<10016x128xf32, #tpu.memory_space<vmem_shared>>)
    %barrier3A_61 = arith.constant 0 : index
    tpu.barrier barrier_id(%barrier3A_61)
    %mul3A_62 = arith.constant 10000 : i32
    %mul3A_63 = arith.muli %arg0, %mul3A_62 : i32
    %add3A_64 = arith.addi %mul3A_63, %mul3A_0 : i32
    "tpu.region"() ({
      %run_scoped3A = tpu.sem_alloc : memref<!tpu.dma_semaphore, #tpu.memory_space<semaphore_mem>>
      %dma_start3A_70 = arith.constant 0 : i32
      %dma_start3A_71 = tpu.memref_slice %arg5[%add3A_64, %dma_start3A_70] : memref<20000x128xf32, #tpu.memory_space<hbm>> -> memref<624x128xf32, #tpu.memory_space<hbm>>
      %dma_start3A_72 = arith.constant 0 : i32
      %dma_start3A_73 = tpu.memref_slice %arg15[%mul3A_0, %dma_start3A_72] : memref<10016x128xf32, #tpu.memory_space<vmem_shared>> -> memref<624x128xf32, #tpu.memory_space<vmem_shared>>
      tpu.enqueue_dma source(%dma_start3A_73 : memref<624x128xf32, #tpu.memory_space<vmem_shared>>) target(%dma_start3A_71 : memref<624x128xf32, #tpu.memory_space<hbm>>) target_semaphore(%run_scoped3A : memref<!tpu.dma_semaphore, #tpu.memory_space<semaphore_mem>>)
      %dma_wait3A_74 = arith.constant 0 : i32
      %dma_wait3A_75 = tpu.memref_slice %arg5[%add3A_64, %dma_wait3A_74] : memref<20000x128xf32, #tpu.memory_space<hbm>> -> memref<624x128xf32, #tpu.memory_space<hbm>>
      %dma_wait3A_76 = arith.constant 0 : i32
      %dma_wait3A_77 = tpu.memref_slice %arg15[%mul3A_0, %dma_wait3A_76] : memref<10016x128xf32, #tpu.memory_space<vmem_shared>> -> memref<624x128xf32, #tpu.memory_space<vmem_shared>>
      tpu.wait_dma2 semaphore(%run_scoped3A : memref<!tpu.dma_semaphore, #tpu.memory_space<semaphore_mem>>) src(%dma_wait3A_77 : memref<624x128xf32, #tpu.memory_space<vmem_shared>>) dst(%dma_wait3A_75 : memref<624x128xf32, #tpu.memory_space<hbm>>)
      tpu.yield
    }) : () -> ()
    %eq3A_65 = arith.constant 15 : i32
    %eq3A_66 = arith.cmpi eq, %arg1, %eq3A_65 : i32
    %convert_element_type3A_67 = arith.extui %eq3A_66 : i1 to i32
    %cond3A_68 = arith.constant 0 : i32
    %cond3A_69 = arith.cmpi ne, %convert_element_type3A_67, %cond3A_68 : i32
    scf.if %cond3A_69 {
      %mul3A_70 = arith.constant 10000 : i32
      %mul3A_71 = arith.muli %arg0, %mul3A_70 : i32
      %add3A_72 = arith.constant 9984 : i32
      %add3A_73 = arith.addi %mul3A_71, %add3A_72 : i32
      "tpu.region"() ({
        %run_scoped3A = tpu.sem_alloc : memref<!tpu.dma_semaphore, #tpu.memory_space<semaphore_mem>>
        %dma_start3A_74 = arith.constant 0 : i32
        %dma_start3A_75 = tpu.memref_slice %arg5[%add3A_73, %dma_start3A_74] : memref<20000x128xf32, #tpu.memory_space<hbm>> -> memref<16x128xf32, #tpu.memory_space<hbm>>
        %dma_start3A_76 = arith.constant 9984 : i32
        %dma_start3A_77 = arith.constant 0 : i32
        %dma_start3A_78 = tpu.memref_slice %arg15[%dma_start3A_76, %dma_start3A_77] : memref<10016x128xf32, #tpu.memory_space<vmem_shared>> -> memref<16x128xf32, #tpu.memory_space<vmem_shared>>
        tpu.enqueue_dma source(%dma_start3A_78 : memref<16x128xf32, #tpu.memory_space<vmem_shared>>) target(%dma_start3A_75 : memref<16x128xf32, #tpu.memory_space<hbm>>) target_semaphore(%run_scoped3A : memref<!tpu.dma_semaphore, #tpu.memory_space<semaphore_mem>>)
        %dma_wait3A_79 = arith.constant 0 : i32
        %dma_wait3A_80 = tpu.memref_slice %arg5[%add3A_73, %dma_wait3A_79] : memref<20000x128xf32, #tpu.memory_space<hbm>> -> memref<16x128xf32, #tpu.memory_space<hbm>>
        %dma_wait3A_81 = arith.constant 9984 : i32
        %dma_wait3A_82 = arith.constant 0 : i32
        %dma_wait3A_83 = tpu.memref_slice %arg15[%dma_wait3A_81, %dma_wait3A_82] : memref<10016x128xf32, #tpu.memory_space<vmem_shared>> -> memref<16x128xf32, #tpu.memory_space<vmem_shared>>
        tpu.wait_dma2 semaphore(%run_scoped3A : memref<!tpu.dma_semaphore, #tpu.memory_space<semaphore_mem>>) src(%dma_wait3A_83 : memref<16x128xf32, #tpu.memory_space<vmem_shared>>) dst(%dma_wait3A_80 : memref<16x128xf32, #tpu.memory_space<hbm>>)
        tpu.yield
      }) : () -> ()
    } else {
    }
    return
  }
}

module attributes {stable_mosaic.version = 14 : i64} {
  func.func @_mm_body(%arg0: i32, %arg1: i32, %arg2: memref<1000x128xf32, #tpu.memory_space<vmem>>, %arg3: memref<1x128x128xf32, #tpu.memory_space<vmem>>, %arg4: memref<1000x128xf32, #tpu.memory_space<vmem>>) attributes {dimension_semantics = [#tpu.dimension_semantics<arbitrary>, #tpu.dimension_semantics<arbitrary>], iteration_bounds = array<i64: 6, 10>, scalar_prefetch = 0 : i64, scratch_operands = 0 : i64, tpu.core_type = #tpu.core_type<tc>, window_params = [{transform_indices = @transform_0, window_bounds = array<i64: 1000, 128>}, {transform_indices = @transform_1, window_bounds = array<i64: 1, 128, 128>}, {transform_indices = @transform_2, window_bounds = array<i64: 1000, 128>}]} {
    %get3A = arith.constant 0 : index
    %get3A_0 = arith.constant 0 : index
    %get3A_1 = vector.load %arg2[%get3A, %get3A_0] : memref<1000x128xf32, #tpu.memory_space<vmem>>, vector<1000x128xf32>
    %get3A_2 = arith.constant 0 : index
    %get3A_3 = arith.constant 0 : index
    %get3A_4 = arith.constant 0 : index
    %get3A_5 = vector.load %arg3[%get3A_2, %get3A_3, %get3A_4] : memref<1x128x128xf32, #tpu.memory_space<vmem>>, vector<1x128x128xf32>
    %get3A_6 = vector.shape_cast %get3A_5 : vector<1x128x128xf32> to vector<128x128xf32>
    %dot_general3A = arith.constant dense<0.000000e+00> : vector<1000x128xf32>
    %dot_general3A_7 = tpu.matmul %get3A_1, %get3A_6, %dot_general3A {dimension_numbers = #tpu.dot_dimension_numbers<[1], [0], [0], [1], [0, 0, 1, 1], [], []>, transpose_lhs_hint = false} : vector<1000x128xf32>, vector<128x128xf32>, vector<1000x128xf32> -> vector<1000x128xf32>
    %ge3A = arith.constant 4 : i32
    %ge3A_8 = arith.cmpi sge, %arg0, %ge3A : i32
    %jit3A = arith.constant 1.000000e+00 : f32
    %jit3A_9 = arith.constant 0.000000e+00 : f32
    %select_n3A = arith.select %ge3A_8, %jit3A, %jit3A_9 : f32
    %mul3A = vector.broadcast %select_n3A : f32 to vector<1000x128xf32>
    %mul3A_10 = arith.mulf %mul3A, %get3A_1 : vector<1000x128xf32>
    %add3A = arith.addf %dot_general3A_7, %mul3A_10 : vector<1000x128xf32>
    %swap3A = arith.constant 0 : index
    %swap3A_11 = arith.constant 0 : index
    %swap3A_12 = vector.load %arg4[%swap3A, %swap3A_11] : memref<1000x128xf32, #tpu.memory_space<vmem>>, vector<1000x128xf32>
    tpu.vector_store %arg4[%swap3A, %swap3A_11], %add3A {strides = array<i32>} : memref<1000x128xf32, #tpu.memory_space<vmem>>, vector<1000x128xf32>,
    return
  }
  func.func @transform_0(%arg0: i32, %arg1: i32) -> (i32, i32) {
    %jit3A = arith.constant 2 : i32
    %eq3A = arith.constant 0 : i32
    %eq3A_0 = arith.cmpi eq, %jit3A, %eq3A : i32
    %jit3A_1 = arith.constant 1 : i32
    %select_n3A = arith.select %eq3A_0, %jit3A_1, %jit3A : i32
    %rem3A = arith.remsi %arg0, %select_n3A : i32
    %ne3A = arith.constant 0 : i32
    %ne3A_2 = arith.cmpi ne, %rem3A, %ne3A : i32
    %lt3A = arith.constant 0 : i32
    %lt3A_3 = arith.cmpi slt, %rem3A, %lt3A : i32
    %lt3A_4 = arith.constant 0 : i32
    %lt3A_5 = arith.cmpi slt, %select_n3A, %lt3A_4 : i32
    %ne3A_6 = arith.xori %lt3A_3, %lt3A_5 : i1
    %and3A = arith.andi %ne3A_6, %ne3A_2 : i1
    %add3A = arith.addi %rem3A, %select_n3A : i32
    %select_n3A_7 = arith.select %and3A, %add3A, %rem3A : i32
    %mul3A = arith.constant 10 : i32
    %mul3A_8 = arith.muli %select_n3A_7, %mul3A : i32
    %add3A_9 = arith.addi %mul3A_8, %arg1 : i32
    %c0_i32 = arith.constant 0 : i32
    %c0_i32_10 = arith.constant 0 : i32
    return %add3A_9, %c0_i32 : i32, i32
  }
  func.func @transform_1(%arg0: i32, %arg1: i32) -> (i32, i32, i32) {
    %c0_i32 = arith.constant 0 : i32
    %c0_i32_0 = arith.constant 0 : i32
    %c0_i32_1 = arith.constant 0 : i32
    return %arg0, %c0_i32, %c0_i32_0 : i32, i32, i32
  }
  func.func @transform_2(%arg0: i32, %arg1: i32) -> (i32, i32) {
    %mul3A = arith.constant 10 : i32
    %mul3A_0 = arith.muli %arg0, %mul3A : i32
    %add3A = arith.addi %mul3A_0, %arg1 : i32
    %c0_i32 = arith.constant 0 : i32
    %c0_i32_1 = arith.constant 0 : i32
    return %add3A, %c0_i32 : i32, i32
  }
}

</mosaic_0001>

<sc_bundles>
// kernel: kernel.4.cloned.1.call-start
scs
__scs_entry_jumppad:
0x0: {  	(pc) =	sbr.rel $0x88, $3  }
0x1: {  	(tag) =	ssettag $0x0;
	lr =	simm.s32 $0x1  }
0x2: {  	[smem:$0x3F96] =	sst lr;
	_ =	strace $0xD0000000  }
0x3: {  	_ = 	snop  }
0x4: {  	_ = 	snop  }
0x5: {  	_ = 	snop  }
0x6: {  	_ = 	snop  }
0x7: {  	_ = 	snop  }
__scs_overlays_trampoline_lowered:
0x8: {  	[smem:$0x3FA5] =	sst s0  }
0x9: {  	[smem:$0x3FA6] =	sst s1  }
0xa: {  	[smem:$0x3FA7] =	sst s2  }
0xb: {  	[smem:$0x3FA8] =	sst s3  }
0xc: {  	[smem:$0x3FA9] =	sst s4  }
0xd: {  	[smem:$0x3FAA] =	sst s5  }
0xe: {  	[smem:$0x3FAB] =	sst s6  }
0xf: {  	[smem:$0x3FAC] =	sst s7  }
0x10: {  	[smem:$0x3FAD] =	sst s8  }
0x11: {  	[smem:$0x3FAE] =	sst s9;
	s0 =	simm.s32 @!p0 $0x0  }
0x12: {  	s1 =	sld [smem:$0x3F94];
	s0 =	simm.s32 @p0 $0x1  }
0x13: {  	[smem:$0x3FAF] =	sst s0;
	s0 =	simm.s32 @!p1 $0x0  }
0x14: {  	s2 =	sld [smem:$0x3F93];
	s0 =	simm.s32 @p1 $0x1  }
0x15: {  	[smem:$0x3FB0] =	sst s0;
	s0 =	simm.s32 @!p2 $0x0  }
0x16: {  	s3 =	sld [smem:$0x3FDB];
	s0 =	simm.s32 @p2 $0x1  }
0x17: {  	s4 =	simm.s32 $0x1BF5;
	[smem:$0x3FB2] =	sst s0  }
0x18: {  	s0 =	sld [smem:$0x3F95];
	_ =	swait.ge [sflag:s4], $0x0  }
0x19: {  	s7 =	sld [smem:$0x3F96]  }
0x1a: {  	s8 =	sadd.s32 $0xFFFFE003, lr  }
0x1b: {  	s9 =	sadd.s32 $0xFFFFFEF7, lr;
	s5 =	simm.s32 $0xFFFFFFFF;
	p2 =	slt.u32 s8, $0xFFFFF086  }
0x1c: {  	p1 =	slt.u32 s9, $0xF7A;
	s5 =	simm.s32 @!p2 $0x0  }
0x1d: {  	s5 =	simm.s32 @p1 $0x1;
	p0 =	seq.s32 s7, s2  }
0x1e: {  	s7 =	smul.u32 @!p0 $0xF7A, s2;
	p2 =	seq.s32 @!p0 s5, $0x0  }
0x1f: {  	s9 =	smul.u32 $0xF7A, s1;
	s8 =	simm.s32 @!p0 $0x1BF5;
	p2 =	por !p2, p0  }
0x20: {  	[sflag:s8] =	ssyncset.s32 @!p0 $0xFFFFF086;
	s6 =	sadd.s32 @!p0 s3, s7;
	s7 =	simm.s32 @!p0 $0x108  }
0x21: {  	s3 =	sadd.s32 s3, s9;
	s6 =	sadd.s32 @!p0 $0x88, s6;
	s7 =	simm.s32 @p2 $0x1082  }
0x22: {  	[simem:s7], [sflag:s8] =	dma.local @!p0 [hbm:s6], $0xF7A  }
0x23: {  	s9 =	sor.u32 $0xD0000000, s2;
	s6 =	simm.s32 $0x108;
	_ =	swait.ge @!p0 [sflag:s8], $0x0  }
0x24: {  	s3 =	sadd.s32 $0x88, s3;
	s6 =	simm.s32 @!p1 $0x1082;
	[sflag:s4] =	ssyncset.s32 $0xFFFFF086  }
0x25: {  	[simem:s6], [sflag:s4] =	dma.local [hbm:s3], $0xF7A  }
0x26: {  	[smem:$0x3F96] =	sst s1;
	(tag) =	ssettag s2;
	_ =	strace s9  }
0x27: {  	s1 =	sld [smem:$0x3FA6]  }
0x28: {  	s2 =	sld [smem:$0x3FA7]  }
0x29: {  	s4 =	sld [smem:$0x3FA9]  }
0x2a: {  	p0 =	seq.s32 s5, $0x0;
	s5 =	sld [smem:$0x3FAA]  }
0x2b: {  	s6 =	sld [smem:$0x3FAB]  }
0x2c: {  	s7 =	sld [smem:$0x3FAC]  }
0x2d: {  	s3 =	simm.s32 $0x108;
	s8 =	sld [smem:$0x3FAD]  }
0x2e: {  	s3 =	simm.s32 @!p0 $0x1082;
	s9 =	sld [smem:$0x3FAE]  }
0x2f: {  	lr =	sadd.s32 s0, s3;
	s0 =	sld [smem:$0x3FA5]  }
0x30: {  	s3 =	sld [smem:$0x3FA8]  }
0x31: {  	[smem:$0x3FB1] =	sst s10  }
0x32: {  	s10 =	sld [smem:$0x3FAF];
	_ =	sdelay $0x3  }
0x33: {  	p0 =	seq.s32 s10, $0x1;
	s10 =	sld [smem:$0x3FB1];
	_ =	sdelay $0x3  }
0x34: {  	[smem:$0x3FB1] =	sst s10  }
0x35: {  	s10 =	sld [smem:$0x3FB0];
	_ =	sdelay $0x3  }
0x36: {  	p1 =	seq.s32 s10, $0x1;
	s10 =	sld [smem:$0x3FB1];
	_ =	sdelay $0x3  }
0x37: {  	[smem:$0x3FB1] =	sst s10  }
0x38: {  	s10 =	sld [smem:$0x3FB2]  }
0x39: {  	_ = 	snop;
	(pc) =	sbr.ind lr, $3  }
0x3a: {  	_ = 	snop  }
0x3b: {  	_ = 	snop  }
0x3c: {  	p2 =	seq.s32 s10, $0x1;
	s10 =	sld [smem:$0x3FB1]  }
0x3d: {  	_ =	shalt  }
0x3e: {  	_ =	shalt  }
0x3f: {  	_ =	shalt  }
0x40: {  	_ =	shalt  }
0x41: {  	_ =	shalt  }
0x42: {  	_ =	shalt  }
0x43: {  	_ =	shalt  }
0x44: {  	_ =	shalt  }
0x45: {  	_ =	shalt  }
0x46: {  	_ =	shalt  }
0x47: {  	_ =	shalt  }
0x48: {  	_ =	shalt  }
0x49: {  	_ =	shalt  }
0x4a: {  	_ =	shalt  }
0x4b: {  	_ =	shalt  }
0x4c: {  	_ =	shalt  }
0x4d: {  	_ =	shalt  }
0x4e: {  	_ =	shalt  }
0x4f: {  	_ =	shalt  }
0x50: {  	_ =	shalt  }
0x51: {  	_ =	shalt  }
0x52: {  	_ =	shalt  }
0x53: {  	_ =	shalt  }
0x54: {  	_ =	shalt  }
0x55: {  	_ =	shalt  }
0x56: {  	_ =	shalt  }
0x57: {  	_ =	shalt  }
0x58: {  	_ =	shalt  }
0x59: {  	_ =	shalt  }
0x5a: {  	_ =	shalt  }
0x5b: {  	_ =	shalt  }
0x5c: {  	_ =	shalt  }
0x5d: {  	_ =	shalt  }
0x5e: {  	_ =	shalt  }
0x5f: {  	_ =	shalt  }
0x60: {  	_ =	shalt  }
0x61: {  	_ =	shalt  }
0x62: {  	_ =	shalt  }
0x63: {  	_ =	shalt  }
0x64: {  	_ =	shalt  }
0x65: {  	_ =	shalt  }
0x66: {  	_ =	shalt  }
0x67: {  	_ =	shalt  }
0x68: {  	_ =	shalt  }
0x69: {  	_ =	shalt  }
0x6a: {  	_ =	shalt  }
0x6b: {  	_ =	shalt  }
0x6c: {  	_ =	shalt  }
0x6d: {  	_ =	shalt  }
0x6e: {  	_ =	shalt  }
0x6f: {  	_ =	shalt  }
0x70: {  	_ =	shalt  }
0x71: {  	_ =	shalt  }
0x72: {  	_ =	shalt  }
0x73: {  	_ =	shalt  }
0x74: {  	_ =	shalt  }
0x75: {  	_ =	shalt  }
0x76: {  	_ =	shalt  }
0x77: {  	_ =	shalt  }
0x78: {  	_ =	shalt  }
0x79: {  	_ =	shalt  }
0x7a: {  	_ =	shalt  }
0x7b: {  	_ =	shalt  }
0x7c: {  	_ =	shalt  }
0x7d: {  	_ =	shalt  }
0x7e: {  	_ =	shalt  }
0x7f: {  	_ =	shalt  }
0x80: {  	_ =	shalt  }
0x81: {  	_ =	shalt  }
0x82: {  	_ =	shalt  }
0x83: {  	_ =	shalt  }
0x84: {  	_ =	shalt  }
0x85: {  	_ =	shalt  }
0x86: {  	_ =	shalt  }
0x87: {  	_ =	shalt  }
.Lfunc_end0:
.L_simem_size_0:
called_computation_lowered:
.L_overlay_start_0:
0x88: {  	s2 =	sld [smem:$0x3FD9]  }
0x89: {  	s3 =	sld [smem:$0x3FFE];
	_ =	sdelay $0x1  }
0x8a: {  	s1 =	srdreg.scid  }
0x8b: {  	s0 =	sand.u32 $0x1, s1  }
0x8c: {  	s14 =	sshll.u32 s0, $0xA;
	s2 =	sadd.s32 s3, s2  }
0x8d: {  	s2 =	sadd.s32 s2, s14  }
0x8e: {  	[smem:$0x3FBD] =	sst s2  }
0x8f: {  	_ = 	snop  }
0x90: {  	s2 =	sld [smem:$0x3FD0];
	_ =	sdelay $0x2  }
0x91: {  	s15 =	simm.s32 $0xA;
	s4 =	simm.s32 $0x10  }
0x92: {  	[smem:s4], [sflag:s15] =	dma.local [hbm:s2], $0x1  }
0x93: {  	_ =	swait.eq [sflag:s15], $0x1  }
0x94: {  	[sflag:s15] =	ssyncset.done $0x0  }
0x95: {  	s16 =	sld [smem:$0x10];
	[sflag:s15] =	ssyncadd.s32 $0xFFFFFFFF  }
0x96: {  	s17 =	sld [smem:$0x11];
	(tm) =	ssettm $0x1  }
0x97: {  	s18 =	sld [smem:$0x3FFB];
	_ =	sdelay $0x3  }
0x98: {  	_ =	strace s18  }
0x99: {  	s4 =	sld [smem:$0x3FFC];
	_ =	sdelay $0x3  }
0x9a: {  	_ =	strace s4  }
0x9b: {  	s4 =	sld [smem:$0x3FFD];
	_ =	sdelay $0x3  }
0x9c: {  	_ =	strace s4  }
0x9d: {  	_ =	strace $0x8FFFFFFF  }
0x9e: {  	s19 =	sld [smem:$0x3FDB];
	_ =	sdelay $0x1  }
0x9f: {  	s5 =	simm.s32 $_scs_section_size  }
0xa0: {  	s6 =	simm.s32 $_size__tile_overlayer_lowered;
	s7 =	simm.s32 $_tile_overlayer_lowered  }
0xa1: {  	s22 =	simm.s32 $0x1BFF;
	s21 =	sshll.u32 s7, $0x1;
	s4 =	sadd.s32 s5, s19  }
0xa2: {  	s8 =	simm.s32 $0x0;
	s20 =	sshll.u32 s6, $0x1;
	s6 =	sadd.s32 s21, s4  }
0xa3: {  	[timem:s8], [sflag:s22] =	dma.local [hbm:s6], s20  }
0xa4: {  	_ =	swait.ge [sflag:s22], s20  }
0xa5: {  	s5 =	ssub.s32 $0x0, s20;
	[sflag:s22] =	ssyncset.done $0x0  }
0xa6: {  	[sflag:s22] =	ssyncadd.s32 s5;
	_ =	sdelay $0x1  }
0xa7: {  	s23 =	simm.s32 $0x1B8B  }
0xa8: {  	_ =	swait.ge [sflag:s23], $0x1  }
0xa9: {  	[sflag:s23] =	ssyncset.done $0x0  }
0xaa: {  	s25 =	simm.s32 $0x1B8E;
	s24 =	sld [smem:$0x3FFE];
	[sflag:s23] =	ssyncadd.s32 $0xFFFFFFFF  }
0xab: {  	s26 =	simm.s32 $execute0_lowered;
	[smem:$0x3FD2] =	sst s25  }
0xac: {  	s6 =	sshll.u32 s26, $0x1;
	_ =	strace $0x80000046;
	[dreg:$0x1] =	wrdreg $0xFFFFFFFF  }
0xad: {  	s28 =	simm.s32 $_size_execute0_lowered;
	s4 =	sadd.s32 s4, s6;
	[dreg:$0x0] =	wrdreg $0x0  }
0xae: {  	s6 =	sshll.u32 s28, $0x1;
	[dreg:$0x2] =	wrdreg s4  }
0xaf: {  	[dreg:$0x3] =	wrdreg s6  }
0xb0: {  	[dreg:$0x4] =	wrdreg $0xC0  }
0xb1: {  	_ =	task [dreg:s8], $0x5FFFF  }
0xb2: {  	[dreg:$0x1] =	wrdreg $0xFFFFFFFF  }
0xb3: {  	[dreg:$0x0] =	wrdreg $0x60  }
0xb4: {  	[dreg:$0x2] =	wrdreg s24  }
0xb5: {  	[dreg:$0x3] =	wrdreg s16  }
0xb6: {  	[dreg:$0x4] =	wrdreg s17  }
0xb7: {  	[dreg:$0x5] =	wrdreg $0xC3000  }
0xb8: {  	[dreg:$0x6] =	wrdreg $0x9  }
0xb9: {  	_ =	task.clear_ibuf [dreg:s8], $0x7FFFF;
	_ =	strace $0x90000046  }
0xba: {  	s29 =	simm.s32 $0x9;
	_ =	strace $0x80000048  }
0xbb: {  	_ =	swait.ge [sflag:s29], $0x1  }
0xbc: {  	[sflag:s29] =	ssyncadd.s32 $0xFFFFFFFF  }
0xbd: {  	_ =	strace $0x90000048  }
0xbe: {  	_ =	sfence  }
0xbf: {  	s30 =	sld [smem:$0x0];
	_ =	sdelay $0x2  }
0xc0: {  	s31 =	sshll.u32 s1, $0xD;
	s1 =	sshrl.u32 s1, $0x2  }
0xc1: {  	s3 =	sand.u32 $0x4000, s31;
	s1 =	sadd.s32 s1, s30  }
0xc2: {  	s0 =	sor.u32 s3, s0;
	s1 =	sshll.u32 s1, $0x11  }
0xc3: {  	s0 =	sor.u32 s1, s0  }
0xc4: {  	s0 =	sadd.s32 $0x8F2B, s0  }
0xc5: {  	[sflag:s0] =	ssyncadd.remote.s32 $0x1  }
0xc6: {  	_ =	sfence.sel $0xFFFF  }
0xc7: {  	[dreg:$0x0] =	wrdreg $0xFFFFFFFF;
	(pc) =	sbr.abs _section_cstart, $3  }
0xc8: {  	[dreg:$0x1] =	wrdreg $0xFFFFFFFF  }
0xc9: {  	_ =	task.clear_ibuf [dreg:s8], $0x2FFFF;
	_ =	strace $0x9FFFFFFF  }
0xca: {  	(tm) =	ssettm $0x7FFFFFFF  }
0xcb: {  	_ =	shalt  }
tec
execute0_lowered:
.L_overlay_start_1:
0x0: {  	(tag) =	ssettag $0x1  }
0x1: {  	s0 =	rddreg [dreg:$0x0]  }
0x2: {  	s1 =	rddreg [dreg:$0x1]  }
0x3: {  	s3 =	rddreg [dreg:$0x2]  }
0x4: {  	s4 =	rddreg [dreg:$0x3]  }
0x5: {  	s6 =	srdreg.scid;
	s2 =	stileid.u32  }
0x6: {  	s5 =	simm.s32 $0x0;
	s8 =	sand.u32 $0x1, s6;
	s7 =	smul.u32 $0x270, s2  }
0x7: {  	[smem:$0x7FF] =	sst s5;
	s10 =	smul.u32 $0x4E000, s2;
	s6 =	sadd.s32 $0x800, s0  }
0x8: {  	s0 =	sadd.s32 $0xEAE00, s0;
	s26 =	sadd.s32 $0x138000, s4;
	s9 =	smul.u32 $0x2710, s8  }
0x9: {  	s25 =	sshll.u32 s2, $0x6;
	_ =	strace $0x80000047;
	s21 =	smul.u32 $0x138800, s8  }
0xa: {  	s11 =	ssub.s32 $0x2, s8;
	p0 =	seq.s32 s8, $0x0;
	s22 =	smul.u32 $0x7F000, s8  }
0xb: {  	[dreg:$0x7] =	wrdreg s26;
	s26 =	simm.s32 $0x0;
	s12 =	sshrl.u32 s11, $0x1  }
0xc: {  	s10 =	sshrl.u32 s10, $0x2;
	s7 =	sadd.s32 s9, s7;
	s16 =	ssub.s32 s11, s12  }
0xd: {  	s20 =	sadd.s32 s10, s4;
	s9 =	simm.s32 $0x7F00;
	s17 =	sshrl.u32 s21, $0x3  }
0xe: {  	s21 =	simm.s32 $0xA;
	s14 =	sshll.u32 s7, $0x4;
	s9 =	simm.s32 @!p0 $0x3300  }
0xf: {  	s7 =	simm.s32 $0xFE;
	s11 =	sadd.s32 s6, s17;
	s17 =	sadd.s32 s0, s17  }
0x10: {  	s16 =	smax.u32 s16, $0x1;
	s20 =	sshrl.u32 s20, $0x3;
	s23 =	sadd.s32 s6, s14  }
0x11: {  	s7 =	simm.s32 @!p0 $0x66;
	s13 =	smul.u32 s2, s9;
	s9 =	sor.u32 $0x1C0A, s25  }
0x12: {  	s29 =	sadd.s32 $0xC3400, s11;
	s14 =	sadd.s32 s0, s14;
	p0 =	sne.s32 s2, $0xF  }
0x13: {  	s24 =	sadd.s32 $0x9C400, s23;
	s15 =	smul.u32 $0x5556, s7;
	[dreg:$0x8] =	wrdreg s29  }
0x14: {  	s25 =	simm.s32 $0x9;
	s23 =	simm.s32 $0x7;
	[dreg:$0x6] =	wrdreg s24  }
0x15: {  	s19 =	sadd.s32 s22, s13;
	s24 =	simm.s32 $0x8;
	s28 =	sadd.s32 $0x10002, s15  }
0x16: {  	s13 =	sshrl.u32 s19, $0x3;
	s30 =	sadd.s32 $0x100, s19;
	s15 =	sshrl.u32 s28, $0x10  }
0x17: {  	s31 =	sor.u32 $0x80, s19;
	s12 =	sadd.s32 s1, s13;
	s18 =	smul.u32 $0x3, s15  }
0x18: {  	s13 =	sadd.s32 s3, s13;
	s15 =	sadd.s32 $0x27000, s17;
	s17 =	sadd.s32 $0x180, s19  }
0x19: {  	s19 =	sshrl.u32 s31, $0x3;
	[dreg:$0x5] =	wrdreg s18;
	s18 =	sshrl.u32 s30, $0x3  }
.LBB2_1:
0x1a: {  	s0 =	rddreg [dreg:$0x6]  }
0x1b: {  	[spmem:s20], [sflag:s9] =	dma.local [hbm:s0], $0x2700  }
0x1c: {  	_ =	swait.ge [sflag:s21], $0x2700  }
0x1d: {  	[sflag:s21] =	ssyncset.done $0x0;
	s0 =	rddreg [dreg:$0x7]  }
0x1e: {  	[sflag:s21] =	ssyncadd.s32 $0xFFFFD900;
	s28 =	sshrl.u32 @!p0 s0, $0x3;
	s0 =	rddreg [dreg:$0x8]  }
0x1f: {  	[spmem:s28], [sflag:s9] =	dma.local @!p0 [hbm:s0], $0x100  }
0x20: {  	s0 =	simm.s32 @!p0 $0xA  }
0x21: {  	_ =	swait.ge @!p0 [sflag:s0], $0x100  }
0x22: {  	[sflag:s0] =	ssyncset.done @!p0 $0x0  }
0x23: {  	s22 =	simm.s32 $0x0;
	[sflag:s0] =	ssyncadd.s32 @!p0 $0xFFFFFF00  }
0x24: {  	s2 =	simm.s32 $0x180;
	s29 =	smov.u32 s1;
	[bflag:$0x0] =	sbarrier.arrive $0xFFFF  }
0x25: {  	[tilespmem:s22], [sflag:$0x1] =	stream.linear.gather [hbm4b:s12+s22], $0x80, $0x38;
	[tilespmem:$0x1FC00] =	vst v63  }
0x26: {  	s30 =	smov.u32 s3;
	s31 =	smov.u32 s17;
	s0 =	simm.s32 $0x0  }
0x27: {  	[tilespmem:s2], [sflag:$0x1] =	stream.linear.gather [hbm4b:s13+s22], $0x80, $0x38;
	[tilespmem:$0x1FC00] =	vst v63  }
.LBB2_2:
0x28: {  	p1 =	sge.u32 s0, s7  }
0x29: {  	s2 =	simm.s32 @!p1 $0x1  }
0x2a: {  	_ =	swait.ge @!p1 [sflag:s2], $0x80  }
0x2b: {  	[sflag:s2] =	ssyncset.done @!p1 $0x0  }
0x2c: {  	[sflag:s2] =	ssyncadd.s32 @!p1 $0xFFFFFF80  }
0x2d: {  	p2 =	seq.s32 s0, $0x0;
	s22 =	simm.s32 @!p1 $0x0;
	_ =	swait.ge @!p1 [sflag:s2], $0x80  }
0x2e: {  	s5 =	simm.s32 @!p1 $0x300;
	p3 =	sgt.u32 @!p2 s0, s7;
	[sflag:s2] =	ssyncset.done @!p1 $0x0  }
0x2f: {  	p2 =	por p3, p2;
	[sflag:s2] =	ssyncadd.s32 @!p1 $0xFFFFFF80;
	s2 =	simm.s32 @!p1 $0x80  }
0x30: {  	[tilespmem:s5], [sflag:$0x4] =	stream.indirect.gather @!p1 [hbm4b:s6+s2], $0x80, s22, s2, $0xb8;
	[tilespmem:$0x1FC00] =	vst v63  }
0x31: {  	s22 =	simm.s32 @!p2 $0x6  }
0x32: {  	_ =	swait.ge @!p2 [sflag:s22], $0x4000  }
0x33: {  	s11 =	sadd.s32 $0x1, s0;
	s8 =	simm.s32 @!p2 $0x280;
	[sflag:s22] =	ssyncset.done @!p2 $0x0  }
0x34: {  	s10 =	simm.s32 @!p2 $0x8300;
	[sflag:s22] =	ssyncadd.s32 @!p2 $0xFFFFC000;
	s22 =	simm.s32 @!p2 $0x80  }
0x35: {  	[spmem:s4] =	stream.indirect.scatter.add.f32 @!p2 [tilespmem:s10], [sflag:$0x9], $0x80, s8, s22, $0xb8;
	[tilespmem:$0x1FC00] =	vst v63  }
0x36: {  	p2 =	sge.u32 s11, s7  }
0x37: {  	p3 =	seq.s32 @!p2 s0, $0x0  }
0x38: {  	p3 =	por p3, p2  }
0x39: {  	s8 =	simm.s32 @!p3 $0x8  }
0x3a: {  	_ =	swait.ge @!p3 [sflag:s8], $0x4000  }
0x3b: {  	s10 =	simm.s32 @!p2 $0x0;
	[sflag:s8] =	ssyncset.done @!p3 $0x0  }
0x3c: {  	s22 =	simm.s32 @!p2 $0x80;
	[sflag:s8] =	ssyncadd.s32 @!p3 $0xFFFFC000;
	s8 =	sadd.s32 @!p2 s29, s19  }
0x3d: {  	[tilespmem:s22], [sflag:$0x2] =	stream.linear.gather @!p2 [hbm4b:s8+s10], $0x80, $0x38;
	[tilespmem:$0x1FC00] =	vst v63  }
0x3e: {  	s11 =	simm.s32 @!p2 $0x200;
	s8 =	sadd.s32 @!p2 s30, s19  }
0x3f: {  	[tilespmem:s11], [sflag:$0x2] =	stream.linear.gather @!p2 [hbm4b:s8+s10], $0x80, $0x38;
	[tilespmem:$0x1FC00] =	vst v63  }
0x40: {  	s8 =	simm.s32 @!p2 $0x2  }
0x41: {  	_ =	swait.ge @!p2 [sflag:s8], $0x80  }
0x42: {  	[sflag:s8] =	ssyncset.done @!p2 $0x0  }
0x43: {  	[sflag:s8] =	ssyncadd.s32 @!p2 $0xFFFFFF80  }
0x44: {  	_ =	swait.ge @!p2 [sflag:s8], $0x80  }
0x45: {  	[sflag:s8] =	ssyncset.done @!p2 $0x0  }
0x46: {  	[sflag:s8] =	ssyncadd.s32 @!p2 $0xFFFFFF80;
	s8 =	simm.s32 @!p2 $0x4300  }
0x47: {  	[tilespmem:s8], [sflag:$0x5] =	stream.indirect.gather @!p2 [hbm4b:s6+s22], $0x80, s22, s22, $0xb8;
	[tilespmem:$0x1FC00] =	vst v63  }
0x48: {  	s8 =	simm.s32 @!p1 $0x4  }
0x49: {  	_ =	swait.ge @!p1 [sflag:s8], $0x4000  }
0x4a: {  	[sflag:s8] =	ssyncset.done @!p1 $0x0  }
0x4b: {  	s22 =	sadd.s32 $0x2, s0;
	[sflag:s8] =	ssyncadd.s32 @!p1 $0xFFFFC000;
	s8 =	simm.s32 @!p1 $0x180  }
0x4c: {  	[spmem:s4] =	stream.indirect.scatter.add.f32 @!p1 [tilespmem:s5], [sflag:$0x7], $0x80, s8, s2, $0xb8;
	[tilespmem:$0x1FC00] =	vst v63  }
0x4d: {  	p1 =	sge.u32 s22, s7  }
0x4e: {  	p2 =	seq.s32 @!p1 s0, $0x0  }
0x4f: {  	p2 =	por p2, p1  }
0x50: {  	s5 =	simm.s32 @!p2 $0x9  }
0x51: {  	_ =	swait.ge @!p2 [sflag:s5], $0x4000  }
0x52: {  	s8 =	simm.s32 @!p1 $0x0;
	[sflag:s5] =	ssyncset.done @!p2 $0x0  }
0x53: {  	s10 =	simm.s32 @!p1 $0x100;
	[sflag:s5] =	ssyncadd.s32 @!p2 $0xFFFFC000;
	s5 =	sadd.s32 @!p1 s29, s18  }
0x54: {  	[tilespmem:s10], [sflag:$0x3] =	stream.linear.gather @!p1 [hbm4b:s5+s8], $0x80, $0x38;
	[tilespmem:$0x1FC00] =	vst v63  }
0x55: {  	s11 =	simm.s32 @!p1 $0x280;
	s5 =	sadd.s32 @!p1 s30, s18  }
0x56: {  	[tilespmem:s11], [sflag:$0x3] =	stream.linear.gather @!p1 [hbm4b:s5+s8], $0x80, $0x38;
	[tilespmem:$0x1FC00] =	vst v63  }
0x57: {  	s5 =	simm.s32 @!p1 $0x3  }
0x58: {  	_ =	swait.ge @!p1 [sflag:s5], $0x80  }
0x59: {  	[sflag:s5] =	ssyncset.done @!p1 $0x0  }
0x5a: {  	[sflag:s5] =	ssyncadd.s32 @!p1 $0xFFFFFF80  }
0x5b: {  	_ =	swait.ge @!p1 [sflag:s5], $0x80  }
0x5c: {  	[sflag:s5] =	ssyncset.done @!p1 $0x0  }
0x5d: {  	s8 =	simm.s32 @!p1 $0x8300;
	[sflag:s5] =	ssyncadd.s32 @!p1 $0xFFFFFF80;
	s5 =	simm.s32 @!p1 $0x80  }
0x5e: {  	[tilespmem:s8], [sflag:$0x6] =	stream.indirect.gather @!p1 [hbm4b:s6+s5], $0x80, s10, s5, $0xb8;
	[tilespmem:$0x1FC00] =	vst v63  }
0x5f: {  	p1 =	sgt.u32 s22, s7  }
0x60: {  	s2 =	simm.s32 @!p1 $0x5  }
0x61: {  	_ =	swait.ge @!p1 [sflag:s2], $0x4000  }
0x62: {  	s0 =	sadd.s32 $0x3, s0;
	s5 =	simm.s32 @!p1 $0x200;
	[sflag:s2] =	ssyncset.done @!p1 $0x0  }
0x63: {  	s8 =	simm.s32 @!p1 $0x4300;
	[sflag:s2] =	ssyncadd.s32 @!p1 $0xFFFFC000;
	s2 =	simm.s32 @!p1 $0x80  }
0x64: {  	[spmem:s4] =	stream.indirect.scatter.add.f32 @!p1 [tilespmem:s8], [sflag:$0x8], $0x80, s5, s2, $0xb8;
	[tilespmem:$0x1FC00] =	vst v63  }
0x65: {  	p1 =	sge.u32 s0, s7  }
0x66: {  	s2 =	simm.s32 @!p1 $0x7  }
0x67: {  	_ =	swait.ge @!p1 [sflag:s2], $0x4000  }
0x68: {  	s5 =	sshrl.u32 @!p1 s31, $0x3;
	[sflag:s2] =	ssyncset.done @!p1 $0x0  }
0x69: {  	s8 =	simm.s32 @!p1 $0x0;
	[sflag:s2] =	ssyncadd.s32 @!p1 $0xFFFFC000;
	s2 =	sadd.s32 @!p1 s1, s5  }
0x6a: {  	[tilespmem:s8], [sflag:$0x1] =	stream.linear.gather @!p1 [hbm4b:s2+s8], $0x80, $0x38;
	[tilespmem:$0x1FC00] =	vst v63  }
0x6b: {  	s10 =	simm.s32 @!p1 $0x180;
	s22 =	rddreg [dreg:$0x5];
	s5 =	sadd.s32 @!p1 s3, s5  }
0x6c: {  	[tilespmem:s10], [sflag:$0x1] =	stream.linear.gather @!p1 [hbm4b:s5+s8], $0x80, $0x38;
	[tilespmem:$0x1FC00] =	vst v63  }
0x6d: {  	p1 =	sne.s32 s22, s0  }
.Ltmp0:
0x6e: {  	_ = 	snop;
	(pc) =	sbr.rel @p1 .LBB2_2-.Ltmp0, $2  }
0x6f: {  	_ =	sdelay $0x2  }
0x70: {  	s29 =	sadd.s32 $0x30, s29;
	s30 =	sadd.s32 $0x30, s30;
	s31 =	sadd.s32 $0x180, s31  }
0x71: {  	_ =	swait.ge [sflag:s23], $0x4000  }
0x72: {  	[sflag:s23] =	ssyncset.done $0x0  }
0x73: {  	[sflag:s23] =	ssyncadd.s32 $0xFFFFC000  }
0x74: {  	_ =	swait.ge [sflag:s24], $0x4000  }
0x75: {  	[sflag:s24] =	ssyncset.done $0x0  }
0x76: {  	[sflag:s24] =	ssyncadd.s32 $0xFFFFC000  }
0x77: {  	_ =	swait.ge [sflag:s25], $0x4000  }
0x78: {  	[sflag:s25] =	ssyncset.done $0x0  }
0x79: {  	[sflag:s25] =	ssyncadd.s32 $0xFFFFC000  }
0x7a: {  	[bflag:$0x0] =	sbarrier.arrive $0xFFFF  }
0x7b: {  	[hbm:s14], [sflag:s9] =	dma.local [spmem:s20], $0x2700  }
0x7c: {  	s26 =	sadd.s32 $0x1, s26;
	_ =	swait.ge [sflag:s21], $0x2700  }
0x7d: {  	p1 =	sne.s32 s26, s16;
	[sflag:s21] =	ssyncset.done $0x0  }
.Ltmp1:
0x7e: {  	s0 =	simm.s32 @!p0 $0xA;
	[sflag:s21] =	ssyncadd.s32 $0xFFFFD900;
	(pc) =	sbr.rel @p1 .LBB2_1-.Ltmp1, $4  }
0x7f: {  	[hbm:s15], [sflag:s9] =	dma.local @!p0 [spmem:s28], $0x100  }
0x80: {  	_ =	swait.ge @!p0 [sflag:s0], $0x100  }
0x81: {  	[sflag:s0] =	ssyncset.done @!p0 $0x0  }
0x82: {  	[sflag:s0] =	ssyncadd.s32 @!p0 $0xFFFFFF00  }
0x83: {  	_ =	sfence.sel $0x180000  }
0x84: {  	[bflag:$0x0] =	sbarrier.arrive $0xFFFF  }
0x85: {  	_ =	strace $0x90000047  }
0x86: {  	s0 =	stileid.u32;
	[bflag:$0x2] =	sbarrier.arrive $0xFFFF  }
0x87: {  	p0 =	sne.s32 s0, $0x0;
	s0 =	rddreg [dreg:$0x4]  }
0x88: {  	s0 =	sadd.s32 @!p0 $0x100000, s0  }
0x89: {  	[sflag:s0] =	ssyncadd.tile.s32 @!p0 $0x1;
	_ =	shalt  }
.Lfunc_end2:
_tile_overlayer_lowered:
.L_overlay_start_2:
0x8a: {  	(tag) =	ssettag $0x2  }
0x8b: {  	s0 =	rddreg [dreg:$0x0];
	s2 =	stileid.u32  }
0x8c: {  	s1 =	rddreg [dreg:$0x1];
	p0 =	sne.s32 s2, $0x0  }
0x8d: {  	s3 =	rddreg [dreg:$0x2];
	[bflag:$0x3] =	sbarrier.arrive $0xFFFF;
	s2 =	simm.s32 @!p0 $0x1C0A  }
0x8e: {  	[timem:s3], [sflag:s2] =	dma.local @!p0 [hbm:s0], s1  }
0x8f: {  	s0 =	simm.s32 @!p0 $0xA  }
0x90: {  	_ =	swait.ge @!p0 [sflag:s0], s1  }
0x91: {  	s1 =	ssub.s32 @!p0 $0x0, s1;
	[sflag:s0] =	ssyncset.done @!p0 $0x0  }
0x92: {  	[sflag:s0] =	ssyncadd.s32 @!p0 s1  }
0x93: {  	[bflag:$0x3] =	sbarrier.arrive $0xFFFF  }
0x94: {  	_ =	shalt  }

</sc_bundles>
